<compile_context>
chip_gen: v7x
topology: tpu7x:2x2x1
jax: 0.10.2.dev20260603
libtpu: 0.0.44.dev20260713+nightly
codegen_flags: <defaults>
</compile_context>

<pallas_src>
import functools

import jax
import jax.numpy as jnp
from jax import lax
from jax.experimental import pallas as pl
from jax.experimental.pallas import tpu as pltpu
from jax.experimental.pallas import tpu_sc as plsc

N, C, D = 16384, 20, 64
B = N * C
NW = 32
BPW = B // NW
CS = 256
NCHUNK = BPW // CS

_mesh = plsc.VectorSubcoreMesh(core_axis_name="c", subcore_axis_name="s")


def _make_call(vocab, spmem_table):

    scratch = [
        pltpu.VMEM((BPW,), jnp.int32),
        [pltpu.VMEM((CS, D), jnp.float32) for _ in range(2)],
        [pltpu.SemaphoreType.DMA for _ in range(2)],
        [pltpu.SemaphoreType.DMA for _ in range(2)],
    ]
    if spmem_table:
        scratch.append(pltpu.VMEM_SHARED((vocab, D), jnp.float32))

    @functools.partial(
        pl.kernel,
        mesh=_mesh,
        out_type=jax.ShapeDtypeStruct((B, D), jnp.float32),
        scratch_types=scratch,
        compiler_params=pltpu.CompilerParams(use_tc_tiling_on_sc=False),
    )
    def _call(idx_hbm, w_hbm, out_hbm, idx_v, rows, gsem, wsem, *rest):
        wid = lax.axis_index("s") * 2 + lax.axis_index("c")
        base = wid * BPW

        if spmem_table:
            table = rest[0]

            @pl.when(lax.axis_index("s") == 0)
            def _stage():
                pltpu.sync_copy(w_hbm, table)
        else:
            table = w_hbm

        pltpu.sync_copy(idx_hbm.at[pl.ds(base, BPW)], idx_v)
        if spmem_table:
            plsc.subcore_barrier()

        def gather_desc(g, p):
            return pltpu.make_async_copy(
                table.at[idx_v.at[pl.ds(g * CS, CS)]], rows[p], gsem[p])

        def write_desc(g, p):
            return pltpu.make_async_copy(
                rows[p], out_hbm.at[pl.ds(base + g * CS, CS)], wsem[p])

        gather_desc(0, 0).start()
        gather_desc(1, 1).start()
        gather_desc(0, 0).wait()
        write_desc(0, 0).start()

        def body(t, carry):
            g0 = 2 * t
            write_desc(g0 - 2, 0).wait()
            gather_desc(g0, 0).start()
            gather_desc(g0 - 1, 1).wait()
            write_desc(g0 - 1, 1).start()
            write_desc(g0 - 1, 1).wait()
            gather_desc(g0 + 1, 1).start()
            gather_desc(g0, 0).wait()
            write_desc(g0, 0).start()
            return carry

        lax.fori_loop(1, NCHUNK // 2, body, 0)

        gather_desc(NCHUNK - 1, 1).wait()
        write_desc(NCHUNK - 1, 1).start()
        write_desc(NCHUNK - 2, 0).wait()
        write_desc(NCHUNK - 1, 1).wait()

    return _call


_call_a = _make_call(1000000, False)
_call_b = _make_call(100000, False)
_call_c = _make_call(1000, True)


def kernel(cat_a, cat_b, cat_c, W_cat_a, W_cat_b, W_cat_c):
    ia = cat_a.reshape(B).astype(jnp.int32)
    ib = cat_b.reshape(B).astype(jnp.int32)
    ic = cat_c.reshape(B).astype(jnp.int32)
    oa = _call_a(ia, W_cat_a)
    ob = _call_b(ib, W_cat_b)
    oc = _call_c(ic, W_cat_c)
    return (oa.reshape(N, C, D), ob.reshape(N, C, D), oc.reshape(N, C, D))

# --- scband reference (transcript-rebuilt; emitter-appended) ---
"""Pipeline reference for scband-metadata-embedding-24893630447749 (READ-ONLY COPY).

The authoritative reference and input builder live on the scoring server;
editing this copy changes nothing except your own understanding.
"""

import jax, jax.numpy as jnp
import numpy as np

VOCABS = {"cat_a": 1000000, "cat_b": 100000, "cat_c": 1000}
D_MODEL = 64
N = 16384
C = 20


def setup_inputs(seed: int = 0) -> dict:
    key = jax.random.key(seed)
    ks = jax.random.split(key, 6)
    inp = {}
    inp["cat_a"] = jax.random.randint(ks[0], (N, C), 0, VOCABS["cat_a"], dtype=jnp.int64 if jax.config.jax_enable_x64 else jnp.int32)
    inp["cat_b"] = jax.random.randint(ks[1], (N, C), 0, VOCABS["cat_b"], dtype=jnp.int64 if jax.config.jax_enable_x64 else jnp.int32)
    inp["cat_c"] = jax.random.randint(ks[2], (N, C), 0, VOCABS["cat_c"], dtype=jnp.int64 if jax.config.jax_enable_x64 else jnp.int32)
    # Learned embedding tables, initialized per embeddings_initializer (normal, std=0.02)
    inp["W_cat_a"] = jax.random.normal(ks[3], (VOCABS["cat_a"], D_MODEL), dtype=jnp.float32) * 0.02
    inp["W_cat_b"] = jax.random.normal(ks[4], (VOCABS["cat_b"], D_MODEL), dtype=jnp.float32) * 0.02
    inp["W_cat_c"] = jax.random.normal(ks[5], (VOCABS["cat_c"], D_MODEL), dtype=jnp.float32) * 0.02
    return inp


def reference(cat_a, cat_b, cat_c, W_cat_a, W_cat_b, W_cat_c):
    # Faithful translation of MetadataEmbedding.forward: per-key embedding lookup
    # {key: embedding_dict[key](tokens_nc)} -> tuple of (n, c, d) tensors in key order.
    out_a = jnp.take(W_cat_a, cat_a, axis=0)
    out_b = jnp.take(W_cat_b, cat_b, axis=0)
    out_c = jnp.take(W_cat_c, cat_c, axis=0)
    return (out_a, out_b, out_c)

if __name__ == "__main__":
    import jax
    _d = setup_inputs()
    print(jax.jit(kernel)(*tuple(_d.values())))

</pallas_src>

<mosaic_0001>
#map = affine_map<(d0, d1) -> (0)>
#map1 = affine_map<(d0, d1) -> (0, 0)>
module attributes {stable_mosaic.version = 14 : i64} {
  func.func @_call(%arg0: i32, %arg1: i32, %arg2: memref<327680xi32, #tpu.memory_space<hbm>>, %arg3: memref<1000000x64xf32, #tpu.memory_space<hbm>>, %arg4: memref<327680x64xf32, #tpu.memory_space<hbm>>, %arg5: memref<10240xi32, #tpu.memory_space<vmem>>, %arg6: memref<256x64xf32, #tpu.memory_space<vmem>>, %arg7: memref<256x64xf32, #tpu.memory_space<vmem>>, %arg8: memref<!tpu.dma_semaphore, #tpu.memory_space<semaphore_mem>>, %arg9: memref<!tpu.dma_semaphore, #tpu.memory_space<semaphore_mem>>, %arg10: memref<!tpu.dma_semaphore, #tpu.memory_space<semaphore_mem>>, %arg11: memref<!tpu.dma_semaphore, #tpu.memory_space<semaphore_mem>>) attributes {dimension_semantics = [#tpu.dimension_semantics<core_parallel>, #tpu.dimension_semantics<subcore_parallel>], iteration_bounds = array<i64: 2, 16>, scalar_prefetch = 0 : i64, scratch_operands = 7 : i64, tpu.core_type = #tpu.core_type<sc_vector_subcore>, window_params = [{transform_indices = #map}, {transform_indices = #map1}, {transform_indices = #map1}]} {
    %mul3A = arith.constant 2 : i32
    %mul3A_0 = arith.muli %arg1, %mul3A : i32
    %add3A = arith.addi %mul3A_0, %arg0 : i32
    %mul3A_1 = arith.constant 10240 : i32
    %mul3A_2 = arith.muli %add3A, %mul3A_1 : i32
    "tpu.region"() ({
      %run_scoped3A = tpu.sem_alloc : memref<!tpu.dma_semaphore, #tpu.memory_space<semaphore_mem>>
      %dma_start3A_50 = tpu.memref_slice %arg2[%mul3A_2] : memref<327680xi32, #tpu.memory_space<hbm>> -> memref<10240xi32, #tpu.memory_space<hbm>>
      %dma_start3A_51 = tpu.memref_slice %arg2[%mul3A_2] : memref<327680xi32, #tpu.memory_space<hbm>> -> memref<10240xi32, #tpu.memory_space<hbm>>
      tpu.enqueue_dma source(%dma_start3A_51 : memref<10240xi32, #tpu.memory_space<hbm>>) target(%arg5 : memref<10240xi32, #tpu.memory_space<vmem>>) target_semaphore(%run_scoped3A : memref<!tpu.dma_semaphore, #tpu.memory_space<semaphore_mem>>)
      %dma_wait3A_52 = tpu.memref_slice %arg2[%mul3A_2] : memref<327680xi32, #tpu.memory_space<hbm>> -> memref<10240xi32, #tpu.memory_space<hbm>>
      %dma_wait3A_53 = tpu.memref_slice %arg2[%mul3A_2] : memref<327680xi32, #tpu.memory_space<hbm>> -> memref<10240xi32, #tpu.memory_space<hbm>>
      tpu.wait_dma2 semaphore(%run_scoped3A : memref<!tpu.dma_semaphore, #tpu.memory_space<semaphore_mem>>) src(%dma_wait3A_53 : memref<10240xi32, #tpu.memory_space<hbm>>) dst(%arg5 : memref<10240xi32, #tpu.memory_space<vmem>>)
      tpu.yield
    }) : () -> ()
    %dma_start3A = arith.constant 0 : i32
    %dma_start3A_3 = tpu.memref_slice %arg5[%dma_start3A] : memref<10240xi32, #tpu.memory_space<vmem>> -> memref<256xi32, #tpu.memory_space<vmem>>
    %dma_start3A_4 = arith.constant 0 : i32
    %dma_start3A_5 = arith.constant 0 : i32
    %dma_start3A_6 = tpu.memref_slice %arg3[%dma_start3A_4, %dma_start3A_5] : memref<1000000x64xf32, #tpu.memory_space<hbm>> -> memref<1000000x64xf32, #tpu.memory_space<hbm>>
    tpu.enqueue_indirect_dma source(%dma_start3A_6 : memref<1000000x64xf32, #tpu.memory_space<hbm>>) target(%arg6 : memref<256x64xf32, #tpu.memory_space<vmem>>) offsets(%dma_start3A_3 : memref<256xi32, #tpu.memory_space<vmem>>) semaphore(%arg8 : memref<!tpu.dma_semaphore, #tpu.memory_space<semaphore_mem>>)
    %dma_start3A_7 = arith.constant 256 : i32
    %dma_start3A_8 = tpu.memref_slice %arg5[%dma_start3A_7] : memref<10240xi32, #tpu.memory_space<vmem>> -> memref<256xi32, #tpu.memory_space<vmem>>
    %dma_start3A_9 = arith.constant 0 : i32
    %dma_start3A_10 = arith.constant 0 : i32
    %dma_start3A_11 = tpu.memref_slice %arg3[%dma_start3A_9, %dma_start3A_10] : memref<1000000x64xf32, #tpu.memory_space<hbm>> -> memref<1000000x64xf32, #tpu.memory_space<hbm>>
    tpu.enqueue_indirect_dma source(%dma_start3A_11 : memref<1000000x64xf32, #tpu.memory_space<hbm>>) target(%arg7 : memref<256x64xf32, #tpu.memory_space<vmem>>) offsets(%dma_start3A_8 : memref<256xi32, #tpu.memory_space<vmem>>) semaphore(%arg9 : memref<!tpu.dma_semaphore, #tpu.memory_space<semaphore_mem>>)
    %dma_wait3A = arith.constant 0 : i32
    %dma_wait3A_12 = tpu.memref_slice %arg5[%dma_wait3A] : memref<10240xi32, #tpu.memory_space<vmem>> -> memref<256xi32, #tpu.memory_space<vmem>>
    %dma_wait3A_13 = arith.constant 0 : i32
    %dma_wait3A_14 = arith.constant 0 : i32
    %dma_wait3A_15 = tpu.memref_slice %arg3[%dma_wait3A_13, %dma_wait3A_14] : memref<1000000x64xf32, #tpu.memory_space<hbm>> -> memref<1000000x64xf32, #tpu.memory_space<hbm>>
    tpu.wait_indirect_dma semaphore(%arg8 : memref<!tpu.dma_semaphore, #tpu.memory_space<semaphore_mem>>) src(%dma_wait3A_15 : memref<1000000x64xf32, #tpu.memory_space<hbm>>) dst(%arg6 : memref<256x64xf32, #tpu.memory_space<vmem>>)
    %add3A_16 = arith.constant 0 : i32
    %add3A_17 = arith.addi %mul3A_2, %add3A_16 : i32
    %dma_start3A_18 = arith.constant 0 : i32
    %dma_start3A_19 = tpu.memref_slice %arg4[%add3A_17, %dma_start3A_18] : memref<327680x64xf32, #tpu.memory_space<hbm>> -> memref<256x64xf32, #tpu.memory_space<hbm>>
    %dma_start3A_20 = arith.constant 0 : i32
    %dma_start3A_21 = tpu.memref_slice %arg4[%add3A_17, %dma_start3A_20] : memref<327680x64xf32, #tpu.memory_space<hbm>> -> memref<256x64xf32, #tpu.memory_space<hbm>>
    tpu.enqueue_dma source(%arg6 : memref<256x64xf32, #tpu.memory_space<vmem>>) target(%dma_start3A_21 : memref<256x64xf32, #tpu.memory_space<hbm>>) target_semaphore(%arg10 : memref<!tpu.dma_semaphore, #tpu.memory_space<semaphore_mem>>)
    %scan3A = arith.constant 0 : i32
    %scan3A_22 = arith.constant 1 : i32
    %scan3A_23 = arith.constant 19 : i32
    %scan3A_24 = arith.addi %scan3A_22, %scan3A_23 : i32
    %scan3A_25 = arith.constant 1 : i32
    scf.for %scan3A_50 = %scan3A_22 to %scan3A_24 step %scan3A_25  : i32 {
      %mul3A_51 = arith.constant 2 : i32
      %mul3A_52 = arith.muli %mul3A_51, %scan3A_50 : i32
      %sub3A = arith.constant 2 : i32
      %sub3A_53 = arith.subi %mul3A_52, %sub3A : i32
      %mul3A_54 = arith.constant 256 : i32
      %mul3A_55 = arith.muli %sub3A_53, %mul3A_54 : i32
      %add3A_56 = arith.addi %mul3A_2, %mul3A_55 : i32
      %dma_wait3A_57 = arith.constant 0 : i32
      %dma_wait3A_58 = tpu.memref_slice %arg4[%add3A_56, %dma_wait3A_57] : memref<327680x64xf32, #tpu.memory_space<hbm>> -> memref<256x64xf32, #tpu.memory_space<hbm>>
      %dma_wait3A_59 = arith.constant 0 : i32
      %dma_wait3A_60 = tpu.memref_slice %arg4[%add3A_56, %dma_wait3A_59] : memref<327680x64xf32, #tpu.memory_space<hbm>> -> memref<256x64xf32, #tpu.memory_space<hbm>>
      tpu.wait_dma2 semaphore(%arg10 : memref<!tpu.dma_semaphore, #tpu.memory_space<semaphore_mem>>) src(%arg6 : memref<256x64xf32, #tpu.memory_space<vmem>>) dst(%dma_wait3A_60 : memref<256x64xf32, #tpu.memory_space<hbm>>)
      %mul3A_61 = arith.constant 256 : i32
      %mul3A_62 = arith.muli %mul3A_52, %mul3A_61 : i32
      %dma_start3A_63 = tpu.memref_slice %arg5[%mul3A_62] : memref<10240xi32, #tpu.memory_space<vmem>> -> memref<256xi32, #tpu.memory_space<vmem>>
      %dma_start3A_64 = arith.constant 0 : i32
      %dma_start3A_65 = arith.constant 0 : i32
      %dma_start3A_66 = tpu.memref_slice %arg3[%dma_start3A_64, %dma_start3A_65] : memref<1000000x64xf32, #tpu.memory_space<hbm>> -> memref<1000000x64xf32, #tpu.memory_space<hbm>>
      tpu.enqueue_indirect_dma source(%dma_start3A_66 : memref<1000000x64xf32, #tpu.memory_space<hbm>>) target(%arg6 : memref<256x64xf32, #tpu.memory_space<vmem>>) offsets(%dma_start3A_63 : memref<256xi32, #tpu.memory_space<vmem>>) semaphore(%arg8 : memref<!tpu.dma_semaphore, #tpu.memory_space<semaphore_mem>>)
      %sub3A_67 = arith.constant 1 : i32
      %sub3A_68 = arith.subi %mul3A_52, %sub3A_67 : i32
      %mul3A_69 = arith.constant 256 : i32
      %mul3A_70 = arith.muli %sub3A_68, %mul3A_69 : i32
      %dma_wait3A_71 = tpu.memref_slice %arg5[%mul3A_70] : memref<10240xi32, #tpu.memory_space<vmem>> -> memref<256xi32, #tpu.memory_space<vmem>>
      %dma_wait3A_72 = arith.constant 0 : i32
      %dma_wait3A_73 = arith.constant 0 : i32
      %dma_wait3A_74 = tpu.memref_slice %arg3[%dma_wait3A_72, %dma_wait3A_73] : memref<1000000x64xf32, #tpu.memory_space<hbm>> -> memref<1000000x64xf32, #tpu.memory_space<hbm>>
      tpu.wait_indirect_dma semaphore(%arg9 : memref<!tpu.dma_semaphore, #tpu.memory_space<semaphore_mem>>) src(%dma_wait3A_74 : memref<1000000x64xf32, #tpu.memory_space<hbm>>) dst(%arg7 : memref<256x64xf32, #tpu.memory_space<vmem>>)
      %sub3A_75 = arith.constant 1 : i32
      %sub3A_76 = arith.subi %mul3A_52, %sub3A_75 : i32
      %mul3A_77 = arith.constant 256 : i32
      %mul3A_78 = arith.muli %sub3A_76, %mul3A_77 : i32
      %add3A_79 = arith.addi %mul3A_2, %mul3A_78 : i32
      %dma_start3A_80 = arith.constant 0 : i32
      %dma_start3A_81 = tpu.memref_slice %arg4[%add3A_79, %dma_start3A_80] : memref<327680x64xf32, #tpu.memory_space<hbm>> -> memref<256x64xf32, #tpu.memory_space<hbm>>
      %dma_start3A_82 = arith.constant 0 : i32
      %dma_start3A_83 = tpu.memref_slice %arg4[%add3A_79, %dma_start3A_82] : memref<327680x64xf32, #tpu.memory_space<hbm>> -> memref<256x64xf32, #tpu.memory_space<hbm>>
      tpu.enqueue_dma source(%arg7 : memref<256x64xf32, #tpu.memory_space<vmem>>) target(%dma_start3A_83 : memref<256x64xf32, #tpu.memory_space<hbm>>) target_semaphore(%arg11 : memref<!tpu.dma_semaphore, #tpu.memory_space<semaphore_mem>>)
      %sub3A_84 = arith.constant 1 : i32
      %sub3A_85 = arith.subi %mul3A_52, %sub3A_84 : i32
      %mul3A_86 = arith.constant 256 : i32
      %mul3A_87 = arith.muli %sub3A_85, %mul3A_86 : i32
      %add3A_88 = arith.addi %mul3A_2, %mul3A_87 : i32
      %dma_wait3A_89 = arith.constant 0 : i32
      %dma_wait3A_90 = tpu.memref_slice %arg4[%add3A_88, %dma_wait3A_89] : memref<327680x64xf32, #tpu.memory_space<hbm>> -> memref<256x64xf32, #tpu.memory_space<hbm>>
      %dma_wait3A_91 = arith.constant 0 : i32
      %dma_wait3A_92 = tpu.memref_slice %arg4[%add3A_88, %dma_wait3A_91] : memref<327680x64xf32, #tpu.memory_space<hbm>> -> memref<256x64xf32, #tpu.memory_space<hbm>>
      tpu.wait_dma2 semaphore(%arg11 : memref<!tpu.dma_semaphore, #tpu.memory_space<semaphore_mem>>) src(%arg7 : memref<256x64xf32, #tpu.memory_space<vmem>>) dst(%dma_wait3A_92 : memref<256x64xf32, #tpu.memory_space<hbm>>)
      %add3A_93 = arith.constant 1 : i32
      %add3A_94 = arith.addi %mul3A_52, %add3A_93 : i32
      %mul3A_95 = arith.constant 256 : i32
      %mul3A_96 = arith.muli %add3A_94, %mul3A_95 : i32
      %dma_start3A_97 = tpu.memref_slice %arg5[%mul3A_96] : memref<10240xi32, #tpu.memory_space<vmem>> -> memref<256xi32, #tpu.memory_space<vmem>>
      %dma_start3A_98 = arith.constant 0 : i32
      %dma_start3A_99 = arith.constant 0 : i32
      %dma_start3A_100 = tpu.memref_slice %arg3[%dma_start3A_98, %dma_start3A_99] : memref<1000000x64xf32, #tpu.memory_space<hbm>> -> memref<1000000x64xf32, #tpu.memory_space<hbm>>
      tpu.enqueue_indirect_dma source(%dma_start3A_100 : memref<1000000x64xf32, #tpu.memory_space<hbm>>) target(%arg7 : memref<256x64xf32, #tpu.memory_space<vmem>>) offsets(%dma_start3A_97 : memref<256xi32, #tpu.memory_space<vmem>>) semaphore(%arg9 : memref<!tpu.dma_semaphore, #tpu.memory_space<semaphore_mem>>)
      %mul3A_101 = arith.constant 256 : i32
      %mul3A_102 = arith.muli %mul3A_52, %mul3A_101 : i32
      %dma_wait3A_103 = tpu.memref_slice %arg5[%mul3A_102] : memref<10240xi32, #tpu.memory_space<vmem>> -> memref<256xi32, #tpu.memory_space<vmem>>
      %dma_wait3A_104 = arith.constant 0 : i32
      %dma_wait3A_105 = arith.constant 0 : i32
      %dma_wait3A_106 = tpu.memref_slice %arg3[%dma_wait3A_104, %dma_wait3A_105] : memref<1000000x64xf32, #tpu.memory_space<hbm>> -> memref<1000000x64xf32, #tpu.memory_space<hbm>>
      tpu.wait_indirect_dma semaphore(%arg8 : memref<!tpu.dma_semaphore, #tpu.memory_space<semaphore_mem>>) src(%dma_wait3A_106 : memref<1000000x64xf32, #tpu.memory_space<hbm>>) dst(%arg6 : memref<256x64xf32, #tpu.memory_space<vmem>>)
      %mul3A_107 = arith.constant 256 : i32
      %mul3A_108 = arith.muli %mul3A_52, %mul3A_107 : i32
      %add3A_109 = arith.addi %mul3A_2, %mul3A_108 : i32
      %dma_start3A_110 = arith.constant 0 : i32
      %dma_start3A_111 = tpu.memref_slice %arg4[%add3A_109, %dma_start3A_110] : memref<327680x64xf32, #tpu.memory_space<hbm>> -> memref<256x64xf32, #tpu.memory_space<hbm>>
      %dma_start3A_112 = arith.constant 0 : i32
      %dma_start3A_113 = tpu.memref_slice %arg4[%add3A_109, %dma_start3A_112] : memref<327680x64xf32, #tpu.memory_space<hbm>> -> memref<256x64xf32, #tpu.memory_space<hbm>>
      tpu.enqueue_dma source(%arg6 : memref<256x64xf32, #tpu.memory_space<vmem>>) target(%dma_start3A_113 : memref<256x64xf32, #tpu.memory_space<hbm>>) target_semaphore(%arg10 : memref<!tpu.dma_semaphore, #tpu.memory_space<semaphore_mem>>)
    }
    %scan3A_26 = arith.constant 19 : i32
    %dma_wait3A_27 = arith.constant 9984 : i32
    %dma_wait3A_28 = tpu.memref_slice %arg5[%dma_wait3A_27] : memref<10240xi32, #tpu.memory_space<vmem>> -> memref<256xi32, #tpu.memory_space<vmem>>
    %dma_wait3A_29 = arith.constant 0 : i32
    %dma_wait3A_30 = arith.constant 0 : i32
    %dma_wait3A_31 = tpu.memref_slice %arg3[%dma_wait3A_29, %dma_wait3A_30] : memref<1000000x64xf32, #tpu.memory_space<hbm>> -> memref<1000000x64xf32, #tpu.memory_space<hbm>>
    tpu.wait_indirect_dma semaphore(%arg9 : memref<!tpu.dma_semaphore, #tpu.memory_space<semaphore_mem>>) src(%dma_wait3A_31 : memref<1000000x64xf32, #tpu.memory_space<hbm>>) dst(%arg7 : memref<256x64xf32, #tpu.memory_space<vmem>>)
    %add3A_32 = arith.constant 9984 : i32
    %add3A_33 = arith.addi %mul3A_2, %add3A_32 : i32
    %dma_start3A_34 = arith.constant 0 : i32
    %dma_start3A_35 = tpu.memref_slice %arg4[%add3A_33, %dma_start3A_34] : memref<327680x64xf32, #tpu.memory_space<hbm>> -> memref<256x64xf32, #tpu.memory_space<hbm>>
    %dma_start3A_36 = arith.constant 0 : i32
    %dma_start3A_37 = tpu.memref_slice %arg4[%add3A_33, %dma_start3A_36] : memref<327680x64xf32, #tpu.memory_space<hbm>> -> memref<256x64xf32, #tpu.memory_space<hbm>>
    tpu.enqueue_dma source(%arg7 : memref<256x64xf32, #tpu.memory_space<vmem>>) target(%dma_start3A_37 : memref<256x64xf32, #tpu.memory_space<hbm>>) target_semaphore(%arg11 : memref<!tpu.dma_semaphore, #tpu.memory_space<semaphore_mem>>)
    %add3A_38 = arith.constant 9728 : i32
    %add3A_39 = arith.addi %mul3A_2, %add3A_38 : i32
    %dma_wait3A_40 = arith.constant 0 : i32
    %dma_wait3A_41 = tpu.memref_slice %arg4[%add3A_39, %dma_wait3A_40] : memref<327680x64xf32, #tpu.memory_space<hbm>> -> memref<256x64xf32, #tpu.memory_space<hbm>>
    %dma_wait3A_42 = arith.constant 0 : i32
    %dma_wait3A_43 = tpu.memref_slice %arg4[%add3A_39, %dma_wait3A_42] : memref<327680x64xf32, #tpu.memory_space<hbm>> -> memref<256x64xf32, #tpu.memory_space<hbm>>
    tpu.wait_dma2 semaphore(%arg10 : memref<!tpu.dma_semaphore, #tpu.memory_space<semaphore_mem>>) src(%arg6 : memref<256x64xf32, #tpu.memory_space<vmem>>) dst(%dma_wait3A_43 : memref<256x64xf32, #tpu.memory_space<hbm>>)
    %add3A_44 = arith.constant 9984 : i32
    %add3A_45 = arith.addi %mul3A_2, %add3A_44 : i32
    %dma_wait3A_46 = arith.constant 0 : i32
    %dma_wait3A_47 = tpu.memref_slice %arg4[%add3A_45, %dma_wait3A_46] : memref<327680x64xf32, #tpu.memory_space<hbm>> -> memref<256x64xf32, #tpu.memory_space<hbm>>
    %dma_wait3A_48 = arith.constant 0 : i32
    %dma_wait3A_49 = tpu.memref_slice %arg4[%add3A_45, %dma_wait3A_48] : memref<327680x64xf32, #tpu.memory_space<hbm>> -> memref<256x64xf32, #tpu.memory_space<hbm>>
    tpu.wait_dma2 semaphore(%arg11 : memref<!tpu.dma_semaphore, #tpu.memory_space<semaphore_mem>>) src(%arg7 : memref<256x64xf32, #tpu.memory_space<vmem>>) dst(%dma_wait3A_49 : memref<256x64xf32, #tpu.memory_space<hbm>>)
    return
  }
}

#map = affine_map<(d0, d1) -> (0)>
#map1 = affine_map<(d0, d1) -> (0, 0)>
module attributes {stable_mosaic.version = 14 : i64} {
  func.func @_call(%arg0: i32, %arg1: i32, %arg2: memref<327680xi32, #tpu.memory_space<hbm>>, %arg3: memref<1000x64xf32, #tpu.memory_space<hbm>>, %arg4: memref<327680x64xf32, #tpu.memory_space<hbm>>, %arg5: memref<10240xi32, #tpu.memory_space<vmem>>, %arg6: memref<256x64xf32, #tpu.memory_space<vmem>>, %arg7: memref<256x64xf32, #tpu.memory_space<vmem>>, %arg8: memref<!tpu.dma_semaphore, #tpu.memory_space<semaphore_mem>>, %arg9: memref<!tpu.dma_semaphore, #tpu.memory_space<semaphore_mem>>, %arg10: memref<!tpu.dma_semaphore, #tpu.memory_space<semaphore_mem>>, %arg11: memref<!tpu.dma_semaphore, #tpu.memory_space<semaphore_mem>>, %arg12: memref<1000x64xf32, #tpu.memory_space<vmem_shared>>) attributes {dimension_semantics = [#tpu.dimension_semantics<core_parallel>, #tpu.dimension_semantics<subcore_parallel>], iteration_bounds = array<i64: 2, 16>, scalar_prefetch = 0 : i64, scratch_operands = 8 : i64, tpu.core_type = #tpu.core_type<sc_vector_subcore>, window_params = [{transform_indices = #map}, {transform_indices = #map1}, {transform_indices = #map1}]} {
    %mul3A = arith.constant 2 : i32
    %mul3A_0 = arith.muli %arg1, %mul3A : i32
    %add3A = arith.addi %mul3A_0, %arg0 : i32
    %mul3A_1 = arith.constant 10240 : i32
    %mul3A_2 = arith.muli %add3A, %mul3A_1 : i32
    %eq3A = arith.constant 0 : i32
    %eq3A_3 = arith.cmpi eq, %arg1, %eq3A : i32
    %convert_element_type3A = arith.extui %eq3A_3 : i1 to i32
    %cond3A = arith.constant 0 : i32
    %cond3A_4 = arith.cmpi ne, %convert_element_type3A, %cond3A : i32
    scf.if %cond3A_4 {
      "tpu.region"() ({
        %run_scoped3A = tpu.sem_alloc : memref<!tpu.dma_semaphore, #tpu.memory_space<semaphore_mem>>
        tpu.enqueue_dma source(%arg3 : memref<1000x64xf32, #tpu.memory_space<hbm>>) target(%arg12 : memref<1000x64xf32, #tpu.memory_space<vmem_shared>>) target_semaphore(%run_scoped3A : memref<!tpu.dma_semaphore, #tpu.memory_space<semaphore_mem>>)
        tpu.wait_dma2 semaphore(%run_scoped3A : memref<!tpu.dma_semaphore, #tpu.memory_space<semaphore_mem>>) src(%arg3 : memref<1000x64xf32, #tpu.memory_space<hbm>>) dst(%arg12 : memref<1000x64xf32, #tpu.memory_space<vmem_shared>>)
        tpu.yield
      }) : () -> ()
    } else {
    }
    "tpu.region"() ({
      %run_scoped3A = tpu.sem_alloc : memref<!tpu.dma_semaphore, #tpu.memory_space<semaphore_mem>>
      %dma_start3A_52 = tpu.memref_slice %arg2[%mul3A_2] : memref<327680xi32, #tpu.memory_space<hbm>> -> memref<10240xi32, #tpu.memory_space<hbm>>
      %dma_start3A_53 = tpu.memref_slice %arg2[%mul3A_2] : memref<327680xi32, #tpu.memory_space<hbm>> -> memref<10240xi32, #tpu.memory_space<hbm>>
      tpu.enqueue_dma source(%dma_start3A_53 : memref<10240xi32, #tpu.memory_space<hbm>>) target(%arg5 : memref<10240xi32, #tpu.memory_space<vmem>>) target_semaphore(%run_scoped3A : memref<!tpu.dma_semaphore, #tpu.memory_space<semaphore_mem>>)
      %dma_wait3A_54 = tpu.memref_slice %arg2[%mul3A_2] : memref<327680xi32, #tpu.memory_space<hbm>> -> memref<10240xi32, #tpu.memory_space<hbm>>
      %dma_wait3A_55 = tpu.memref_slice %arg2[%mul3A_2] : memref<327680xi32, #tpu.memory_space<hbm>> -> memref<10240xi32, #tpu.memory_space<hbm>>
      tpu.wait_dma2 semaphore(%run_scoped3A : memref<!tpu.dma_semaphore, #tpu.memory_space<semaphore_mem>>) src(%dma_wait3A_55 : memref<10240xi32, #tpu.memory_space<hbm>>) dst(%arg5 : memref<10240xi32, #tpu.memory_space<vmem>>)
      tpu.yield
    }) : () -> ()
    %barrier3A = arith.constant 0 : index
    tpu.barrier barrier_id(%barrier3A)
    %dma_start3A = arith.constant 0 : i32
    %dma_start3A_5 = tpu.memref_slice %arg5[%dma_start3A] : memref<10240xi32, #tpu.memory_space<vmem>> -> memref<256xi32, #tpu.memory_space<vmem>>
    %dma_start3A_6 = arith.constant 0 : i32
    %dma_start3A_7 = arith.constant 0 : i32
    %dma_start3A_8 = tpu.memref_slice %arg12[%dma_start3A_6, %dma_start3A_7] : memref<1000x64xf32, #tpu.memory_space<vmem_shared>> -> memref<1000x64xf32, #tpu.memory_space<vmem_shared>>
    tpu.enqueue_indirect_dma source(%dma_start3A_8 : memref<1000x64xf32, #tpu.memory_space<vmem_shared>>) target(%arg6 : memref<256x64xf32, #tpu.memory_space<vmem>>) offsets(%dma_start3A_5 : memref<256xi32, #tpu.memory_space<vmem>>) semaphore(%arg8 : memref<!tpu.dma_semaphore, #tpu.memory_space<semaphore_mem>>)
    %dma_start3A_9 = arith.constant 256 : i32
    %dma_start3A_10 = tpu.memref_slice %arg5[%dma_start3A_9] : memref<10240xi32, #tpu.memory_space<vmem>> -> memref<256xi32, #tpu.memory_space<vmem>>
    %dma_start3A_11 = arith.constant 0 : i32
    %dma_start3A_12 = arith.constant 0 : i32
    %dma_start3A_13 = tpu.memref_slice %arg12[%dma_start3A_11, %dma_start3A_12] : memref<1000x64xf32, #tpu.memory_space<vmem_shared>> -> memref<1000x64xf32, #tpu.memory_space<vmem_shared>>
    tpu.enqueue_indirect_dma source(%dma_start3A_13 : memref<1000x64xf32, #tpu.memory_space<vmem_shared>>) target(%arg7 : memref<256x64xf32, #tpu.memory_space<vmem>>) offsets(%dma_start3A_10 : memref<256xi32, #tpu.memory_space<vmem>>) semaphore(%arg9 : memref<!tpu.dma_semaphore, #tpu.memory_space<semaphore_mem>>)
    %dma_wait3A = arith.constant 0 : i32
    %dma_wait3A_14 = tpu.memref_slice %arg5[%dma_wait3A] : memref<10240xi32, #tpu.memory_space<vmem>> -> memref<256xi32, #tpu.memory_space<vmem>>
    %dma_wait3A_15 = arith.constant 0 : i32
    %dma_wait3A_16 = arith.constant 0 : i32
    %dma_wait3A_17 = tpu.memref_slice %arg12[%dma_wait3A_15, %dma_wait3A_16] : memref<1000x64xf32, #tpu.memory_space<vmem_shared>> -> memref<1000x64xf32, #tpu.memory_space<vmem_shared>>
    tpu.wait_indirect_dma semaphore(%arg8 : memref<!tpu.dma_semaphore, #tpu.memory_space<semaphore_mem>>) src(%dma_wait3A_17 : memref<1000x64xf32, #tpu.memory_space<vmem_shared>>) dst(%arg6 : memref<256x64xf32, #tpu.memory_space<vmem>>)
    %add3A_18 = arith.constant 0 : i32
    %add3A_19 = arith.addi %mul3A_2, %add3A_18 : i32
    %dma_start3A_20 = arith.constant 0 : i32
    %dma_start3A_21 = tpu.memref_slice %arg4[%add3A_19, %dma_start3A_20] : memref<327680x64xf32, #tpu.memory_space<hbm>> -> memref<256x64xf32, #tpu.memory_space<hbm>>
    %dma_start3A_22 = arith.constant 0 : i32
    %dma_start3A_23 = tpu.memref_slice %arg4[%add3A_19, %dma_start3A_22] : memref<327680x64xf32, #tpu.memory_space<hbm>> -> memref<256x64xf32, #tpu.memory_space<hbm>>
    tpu.enqueue_dma source(%arg6 : memref<256x64xf32, #tpu.memory_space<vmem>>) target(%dma_start3A_23 : memref<256x64xf32, #tpu.memory_space<hbm>>) target_semaphore(%arg10 : memref<!tpu.dma_semaphore, #tpu.memory_space<semaphore_mem>>)
    %scan3A = arith.constant 0 : i32
    %scan3A_24 = arith.constant 1 : i32
    %scan3A_25 = arith.constant 19 : i32
    %scan3A_26 = arith.addi %scan3A_24, %scan3A_25 : i32
    %scan3A_27 = arith.constant 1 : i32
    scf.for %scan3A_52 = %scan3A_24 to %scan3A_26 step %scan3A_27  : i32 {
      %mul3A_53 = arith.constant 2 : i32
      %mul3A_54 = arith.muli %mul3A_53, %scan3A_52 : i32
      %sub3A = arith.constant 2 : i32
      %sub3A_55 = arith.subi %mul3A_54, %sub3A : i32
      %mul3A_56 = arith.constant 256 : i32
      %mul3A_57 = arith.muli %sub3A_55, %mul3A_56 : i32
      %add3A_58 = arith.addi %mul3A_2, %mul3A_57 : i32
      %dma_wait3A_59 = arith.constant 0 : i32
      %dma_wait3A_60 = tpu.memref_slice %arg4[%add3A_58, %dma_wait3A_59] : memref<327680x64xf32, #tpu.memory_space<hbm>> -> memref<256x64xf32, #tpu.memory_space<hbm>>
      %dma_wait3A_61 = arith.constant 0 : i32
      %dma_wait3A_62 = tpu.memref_slice %arg4[%add3A_58, %dma_wait3A_61] : memref<327680x64xf32, #tpu.memory_space<hbm>> -> memref<256x64xf32, #tpu.memory_space<hbm>>
      tpu.wait_dma2 semaphore(%arg10 : memref<!tpu.dma_semaphore, #tpu.memory_space<semaphore_mem>>) src(%arg6 : memref<256x64xf32, #tpu.memory_space<vmem>>) dst(%dma_wait3A_62 : memref<256x64xf32, #tpu.memory_space<hbm>>)
      %mul3A_63 = arith.constant 256 : i32
      %mul3A_64 = arith.muli %mul3A_54, %mul3A_63 : i32
      %dma_start3A_65 = tpu.memref_slice %arg5[%mul3A_64] : memref<10240xi32, #tpu.memory_space<vmem>> -> memref<256xi32, #tpu.memory_space<vmem>>
      %dma_start3A_66 = arith.constant 0 : i32
      %dma_start3A_67 = arith.constant 0 : i32
      %dma_start3A_68 = tpu.memref_slice %arg12[%dma_start3A_66, %dma_start3A_67] : memref<1000x64xf32, #tpu.memory_space<vmem_shared>> -> memref<1000x64xf32, #tpu.memory_space<vmem_shared>>
      tpu.enqueue_indirect_dma source(%dma_start3A_68 : memref<1000x64xf32, #tpu.memory_space<vmem_shared>>) target(%arg6 : memref<256x64xf32, #tpu.memory_space<vmem>>) offsets(%dma_start3A_65 : memref<256xi32, #tpu.memory_space<vmem>>) semaphore(%arg8 : memref<!tpu.dma_semaphore, #tpu.memory_space<semaphore_mem>>)
      %sub3A_69 = arith.constant 1 : i32
      %sub3A_70 = arith.subi %mul3A_54, %sub3A_69 : i32
      %mul3A_71 = arith.constant 256 : i32
      %mul3A_72 = arith.muli %sub3A_70, %mul3A_71 : i32
      %dma_wait3A_73 = tpu.memref_slice %arg5[%mul3A_72] : memref<10240xi32, #tpu.memory_space<vmem>> -> memref<256xi32, #tpu.memory_space<vmem>>
      %dma_wait3A_74 = arith.constant 0 : i32
      %dma_wait3A_75 = arith.constant 0 : i32
      %dma_wait3A_76 = tpu.memref_slice %arg12[%dma_wait3A_74, %dma_wait3A_75] : memref<1000x64xf32, #tpu.memory_space<vmem_shared>> -> memref<1000x64xf32, #tpu.memory_space<vmem_shared>>
      tpu.wait_indirect_dma semaphore(%arg9 : memref<!tpu.dma_semaphore, #tpu.memory_space<semaphore_mem>>) src(%dma_wait3A_76 : memref<1000x64xf32, #tpu.memory_space<vmem_shared>>) dst(%arg7 : memref<256x64xf32, #tpu.memory_space<vmem>>)
      %sub3A_77 = arith.constant 1 : i32
      %sub3A_78 = arith.subi %mul3A_54, %sub3A_77 : i32
      %mul3A_79 = arith.constant 256 : i32
      %mul3A_80 = arith.muli %sub3A_78, %mul3A_79 : i32
      %add3A_81 = arith.addi %mul3A_2, %mul3A_80 : i32
      %dma_start3A_82 = arith.constant 0 : i32
      %dma_start3A_83 = tpu.memref_slice %arg4[%add3A_81, %dma_start3A_82] : memref<327680x64xf32, #tpu.memory_space<hbm>> -> memref<256x64xf32, #tpu.memory_space<hbm>>
      %dma_start3A_84 = arith.constant 0 : i32
      %dma_start3A_85 = tpu.memref_slice %arg4[%add3A_81, %dma_start3A_84] : memref<327680x64xf32, #tpu.memory_space<hbm>> -> memref<256x64xf32, #tpu.memory_space<hbm>>
      tpu.enqueue_dma source(%arg7 : memref<256x64xf32, #tpu.memory_space<vmem>>) target(%dma_start3A_85 : memref<256x64xf32, #tpu.memory_space<hbm>>) target_semaphore(%arg11 : memref<!tpu.dma_semaphore, #tpu.memory_space<semaphore_mem>>)
      %sub3A_86 = arith.constant 1 : i32
      %sub3A_87 = arith.subi %mul3A_54, %sub3A_86 : i32
      %mul3A_88 = arith.constant 256 : i32
      %mul3A_89 = arith.muli %sub3A_87, %mul3A_88 : i32
      %add3A_90 = arith.addi %mul3A_2, %mul3A_89 : i32
      %dma_wait3A_91 = arith.constant 0 : i32
      %dma_wait3A_92 = tpu.memref_slice %arg4[%add3A_90, %dma_wait3A_91] : memref<327680x64xf32, #tpu.memory_space<hbm>> -> memref<256x64xf32, #tpu.memory_space<hbm>>
      %dma_wait3A_93 = arith.constant 0 : i32
      %dma_wait3A_94 = tpu.memref_slice %arg4[%add3A_90, %dma_wait3A_93] : memref<327680x64xf32, #tpu.memory_space<hbm>> -> memref<256x64xf32, #tpu.memory_space<hbm>>
      tpu.wait_dma2 semaphore(%arg11 : memref<!tpu.dma_semaphore, #tpu.memory_space<semaphore_mem>>) src(%arg7 : memref<256x64xf32, #tpu.memory_space<vmem>>) dst(%dma_wait3A_94 : memref<256x64xf32, #tpu.memory_space<hbm>>)
      %add3A_95 = arith.constant 1 : i32
      %add3A_96 = arith.addi %mul3A_54, %add3A_95 : i32
      %mul3A_97 = arith.constant 256 : i32
      %mul3A_98 = arith.muli %add3A_96, %mul3A_97 : i32
      %dma_start3A_99 = tpu.memref_slice %arg5[%mul3A_98] : memref<10240xi32, #tpu.memory_space<vmem>> -> memref<256xi32, #tpu.memory_space<vmem>>
      %dma_start3A_100 = arith.constant 0 : i32
      %dma_start3A_101 = arith.constant 0 : i32
      %dma_start3A_102 = tpu.memref_slice %arg12[%dma_start3A_100, %dma_start3A_101] : memref<1000x64xf32, #tpu.memory_space<vmem_shared>> -> memref<1000x64xf32, #tpu.memory_space<vmem_shared>>
      tpu.enqueue_indirect_dma source(%dma_start3A_102 : memref<1000x64xf32, #tpu.memory_space<vmem_shared>>) target(%arg7 : memref<256x64xf32, #tpu.memory_space<vmem>>) offsets(%dma_start3A_99 : memref<256xi32, #tpu.memory_space<vmem>>) semaphore(%arg9 : memref<!tpu.dma_semaphore, #tpu.memory_space<semaphore_mem>>)
      %mul3A_103 = arith.constant 256 : i32
      %mul3A_104 = arith.muli %mul3A_54, %mul3A_103 : i32
      %dma_wait3A_105 = tpu.memref_slice %arg5[%mul3A_104] : memref<10240xi32, #tpu.memory_space<vmem>> -> memref<256xi32, #tpu.memory_space<vmem>>
      %dma_wait3A_106 = arith.constant 0 : i32
      %dma_wait3A_107 = arith.constant 0 : i32
      %dma_wait3A_108 = tpu.memref_slice %arg12[%dma_wait3A_106, %dma_wait3A_107] : memref<1000x64xf32, #tpu.memory_space<vmem_shared>> -> memref<1000x64xf32, #tpu.memory_space<vmem_shared>>
      tpu.wait_indirect_dma semaphore(%arg8 : memref<!tpu.dma_semaphore, #tpu.memory_space<semaphore_mem>>) src(%dma_wait3A_108 : memref<1000x64xf32, #tpu.memory_space<vmem_shared>>) dst(%arg6 : memref<256x64xf32, #tpu.memory_space<vmem>>)
      %mul3A_109 = arith.constant 256 : i32
      %mul3A_110 = arith.muli %mul3A_54, %mul3A_109 : i32
      %add3A_111 = arith.addi %mul3A_2, %mul3A_110 : i32
      %dma_start3A_112 = arith.constant 0 : i32
      %dma_start3A_113 = tpu.memref_slice %arg4[%add3A_111, %dma_start3A_112] : memref<327680x64xf32, #tpu.memory_space<hbm>> -> memref<256x64xf32, #tpu.memory_space<hbm>>
      %dma_start3A_114 = arith.constant 0 : i32
      %dma_start3A_115 = tpu.memref_slice %arg4[%add3A_111, %dma_start3A_114] : memref<327680x64xf32, #tpu.memory_space<hbm>> -> memref<256x64xf32, #tpu.memory_space<hbm>>
      tpu.enqueue_dma source(%arg6 : memref<256x64xf32, #tpu.memory_space<vmem>>) target(%dma_start3A_115 : memref<256x64xf32, #tpu.memory_space<hbm>>) target_semaphore(%arg10 : memref<!tpu.dma_semaphore, #tpu.memory_space<semaphore_mem>>)
    }
    %scan3A_28 = arith.constant 19 : i32
    %dma_wait3A_29 = arith.constant 9984 : i32
    %dma_wait3A_30 = tpu.memref_slice %arg5[%dma_wait3A_29] : memref<10240xi32, #tpu.memory_space<vmem>> -> memref<256xi32, #tpu.memory_space<vmem>>
    %dma_wait3A_31 = arith.constant 0 : i32
    %dma_wait3A_32 = arith.constant 0 : i32
    %dma_wait3A_33 = tpu.memref_slice %arg12[%dma_wait3A_31, %dma_wait3A_32] : memref<1000x64xf32, #tpu.memory_space<vmem_shared>> -> memref<1000x64xf32, #tpu.memory_space<vmem_shared>>
    tpu.wait_indirect_dma semaphore(%arg9 : memref<!tpu.dma_semaphore, #tpu.memory_space<semaphore_mem>>) src(%dma_wait3A_33 : memref<1000x64xf32, #tpu.memory_space<vmem_shared>>) dst(%arg7 : memref<256x64xf32, #tpu.memory_space<vmem>>)
    %add3A_34 = arith.constant 9984 : i32
    %add3A_35 = arith.addi %mul3A_2, %add3A_34 : i32
    %dma_start3A_36 = arith.constant 0 : i32
    %dma_start3A_37 = tpu.memref_slice %arg4[%add3A_35, %dma_start3A_36] : memref<327680x64xf32, #tpu.memory_space<hbm>> -> memref<256x64xf32, #tpu.memory_space<hbm>>
    %dma_start3A_38 = arith.constant 0 : i32
    %dma_start3A_39 = tpu.memref_slice %arg4[%add3A_35, %dma_start3A_38] : memref<327680x64xf32, #tpu.memory_space<hbm>> -> memref<256x64xf32, #tpu.memory_space<hbm>>
    tpu.enqueue_dma source(%arg7 : memref<256x64xf32, #tpu.memory_space<vmem>>) target(%dma_start3A_39 : memref<256x64xf32, #tpu.memory_space<hbm>>) target_semaphore(%arg11 : memref<!tpu.dma_semaphore, #tpu.memory_space<semaphore_mem>>)
    %add3A_40 = arith.constant 9728 : i32
    %add3A_41 = arith.addi %mul3A_2, %add3A_40 : i32
    %dma_wait3A_42 = arith.constant 0 : i32
    %dma_wait3A_43 = tpu.memref_slice %arg4[%add3A_41, %dma_wait3A_42] : memref<327680x64xf32, #tpu.memory_space<hbm>> -> memref<256x64xf32, #tpu.memory_space<hbm>>
    %dma_wait3A_44 = arith.constant 0 : i32
    %dma_wait3A_45 = tpu.memref_slice %arg4[%add3A_41, %dma_wait3A_44] : memref<327680x64xf32, #tpu.memory_space<hbm>> -> memref<256x64xf32, #tpu.memory_space<hbm>>
    tpu.wait_dma2 semaphore(%arg10 : memref<!tpu.dma_semaphore, #tpu.memory_space<semaphore_mem>>) src(%arg6 : memref<256x64xf32, #tpu.memory_space<vmem>>) dst(%dma_wait3A_45 : memref<256x64xf32, #tpu.memory_space<hbm>>)
    %add3A_46 = arith.constant 9984 : i32
    %add3A_47 = arith.addi %mul3A_2, %add3A_46 : i32
    %dma_wait3A_48 = arith.constant 0 : i32
    %dma_wait3A_49 = tpu.memref_slice %arg4[%add3A_47, %dma_wait3A_48] : memref<327680x64xf32, #tpu.memory_space<hbm>> -> memref<256x64xf32, #tpu.memory_space<hbm>>
    %dma_wait3A_50 = arith.constant 0 : i32
    %dma_wait3A_51 = tpu.memref_slice %arg4[%add3A_47, %dma_wait3A_50] : memref<327680x64xf32, #tpu.memory_space<hbm>> -> memref<256x64xf32, #tpu.memory_space<hbm>>
    tpu.wait_dma2 semaphore(%arg11 : memref<!tpu.dma_semaphore, #tpu.memory_space<semaphore_mem>>) src(%arg7 : memref<256x64xf32, #tpu.memory_space<vmem>>) dst(%dma_wait3A_51 : memref<256x64xf32, #tpu.memory_space<hbm>>)
    return
  }
}

#map = affine_map<(d0, d1) -> (0)>
#map1 = affine_map<(d0, d1) -> (0, 0)>
module attributes {stable_mosaic.version = 14 : i64} {
  func.func @_call(%arg0: i32, %arg1: i32, %arg2: memref<327680xi32, #tpu.memory_space<hbm>>, %arg3: memref<100000x64xf32, #tpu.memory_space<hbm>>, %arg4: memref<327680x64xf32, #tpu.memory_space<hbm>>, %arg5: memref<10240xi32, #tpu.memory_space<vmem>>, %arg6: memref<256x64xf32, #tpu.memory_space<vmem>>, %arg7: memref<256x64xf32, #tpu.memory_space<vmem>>, %arg8: memref<!tpu.dma_semaphore, #tpu.memory_space<semaphore_mem>>, %arg9: memref<!tpu.dma_semaphore, #tpu.memory_space<semaphore_mem>>, %arg10: memref<!tpu.dma_semaphore, #tpu.memory_space<semaphore_mem>>, %arg11: memref<!tpu.dma_semaphore, #tpu.memory_space<semaphore_mem>>) attributes {dimension_semantics = [#tpu.dimension_semantics<core_parallel>, #tpu.dimension_semantics<subcore_parallel>], iteration_bounds = array<i64: 2, 16>, scalar_prefetch = 0 : i64, scratch_operands = 7 : i64, tpu.core_type = #tpu.core_type<sc_vector_subcore>, window_params = [{transform_indices = #map}, {transform_indices = #map1}, {transform_indices = #map1}]} {
    %mul3A = arith.constant 2 : i32
    %mul3A_0 = arith.muli %arg1, %mul3A : i32
    %add3A = arith.addi %mul3A_0, %arg0 : i32
    %mul3A_1 = arith.constant 10240 : i32
    %mul3A_2 = arith.muli %add3A, %mul3A_1 : i32
    "tpu.region"() ({
      %run_scoped3A = tpu.sem_alloc : memref<!tpu.dma_semaphore, #tpu.memory_space<semaphore_mem>>
      %dma_start3A_50 = tpu.memref_slice %arg2[%mul3A_2] : memref<327680xi32, #tpu.memory_space<hbm>> -> memref<10240xi32, #tpu.memory_space<hbm>>
      %dma_start3A_51 = tpu.memref_slice %arg2[%mul3A_2] : memref<327680xi32, #tpu.memory_space<hbm>> -> memref<10240xi32, #tpu.memory_space<hbm>>
      tpu.enqueue_dma source(%dma_start3A_51 : memref<10240xi32, #tpu.memory_space<hbm>>) target(%arg5 : memref<10240xi32, #tpu.memory_space<vmem>>) target_semaphore(%run_scoped3A : memref<!tpu.dma_semaphore, #tpu.memory_space<semaphore_mem>>)
      %dma_wait3A_52 = tpu.memref_slice %arg2[%mul3A_2] : memref<327680xi32, #tpu.memory_space<hbm>> -> memref<10240xi32, #tpu.memory_space<hbm>>
      %dma_wait3A_53 = tpu.memref_slice %arg2[%mul3A_2] : memref<327680xi32, #tpu.memory_space<hbm>> -> memref<10240xi32, #tpu.memory_space<hbm>>
      tpu.wait_dma2 semaphore(%run_scoped3A : memref<!tpu.dma_semaphore, #tpu.memory_space<semaphore_mem>>) src(%dma_wait3A_53 : memref<10240xi32, #tpu.memory_space<hbm>>) dst(%arg5 : memref<10240xi32, #tpu.memory_space<vmem>>)
      tpu.yield
    }) : () -> ()
    %dma_start3A = arith.constant 0 : i32
    %dma_start3A_3 = tpu.memref_slice %arg5[%dma_start3A] : memref<10240xi32, #tpu.memory_space<vmem>> -> memref<256xi32, #tpu.memory_space<vmem>>
    %dma_start3A_4 = arith.constant 0 : i32
    %dma_start3A_5 = arith.constant 0 : i32
    %dma_start3A_6 = tpu.memref_slice %arg3[%dma_start3A_4, %dma_start3A_5] : memref<100000x64xf32, #tpu.memory_space<hbm>> -> memref<100000x64xf32, #tpu.memory_space<hbm>>
    tpu.enqueue_indirect_dma source(%dma_start3A_6 : memref<100000x64xf32, #tpu.memory_space<hbm>>) target(%arg6 : memref<256x64xf32, #tpu.memory_space<vmem>>) offsets(%dma_start3A_3 : memref<256xi32, #tpu.memory_space<vmem>>) semaphore(%arg8 : memref<!tpu.dma_semaphore, #tpu.memory_space<semaphore_mem>>)
    %dma_start3A_7 = arith.constant 256 : i32
    %dma_start3A_8 = tpu.memref_slice %arg5[%dma_start3A_7] : memref<10240xi32, #tpu.memory_space<vmem>> -> memref<256xi32, #tpu.memory_space<vmem>>
    %dma_start3A_9 = arith.constant 0 : i32
    %dma_start3A_10 = arith.constant 0 : i32
    %dma_start3A_11 = tpu.memref_slice %arg3[%dma_start3A_9, %dma_start3A_10] : memref<100000x64xf32, #tpu.memory_space<hbm>> -> memref<100000x64xf32, #tpu.memory_space<hbm>>
    tpu.enqueue_indirect_dma source(%dma_start3A_11 : memref<100000x64xf32, #tpu.memory_space<hbm>>) target(%arg7 : memref<256x64xf32, #tpu.memory_space<vmem>>) offsets(%dma_start3A_8 : memref<256xi32, #tpu.memory_space<vmem>>) semaphore(%arg9 : memref<!tpu.dma_semaphore, #tpu.memory_space<semaphore_mem>>)
    %dma_wait3A = arith.constant 0 : i32
    %dma_wait3A_12 = tpu.memref_slice %arg5[%dma_wait3A] : memref<10240xi32, #tpu.memory_space<vmem>> -> memref<256xi32, #tpu.memory_space<vmem>>
    %dma_wait3A_13 = arith.constant 0 : i32
    %dma_wait3A_14 = arith.constant 0 : i32
    %dma_wait3A_15 = tpu.memref_slice %arg3[%dma_wait3A_13, %dma_wait3A_14] : memref<100000x64xf32, #tpu.memory_space<hbm>> -> memref<100000x64xf32, #tpu.memory_space<hbm>>
    tpu.wait_indirect_dma semaphore(%arg8 : memref<!tpu.dma_semaphore, #tpu.memory_space<semaphore_mem>>) src(%dma_wait3A_15 : memref<100000x64xf32, #tpu.memory_space<hbm>>) dst(%arg6 : memref<256x64xf32, #tpu.memory_space<vmem>>)
    %add3A_16 = arith.constant 0 : i32
    %add3A_17 = arith.addi %mul3A_2, %add3A_16 : i32
    %dma_start3A_18 = arith.constant 0 : i32
    %dma_start3A_19 = tpu.memref_slice %arg4[%add3A_17, %dma_start3A_18] : memref<327680x64xf32, #tpu.memory_space<hbm>> -> memref<256x64xf32, #tpu.memory_space<hbm>>
    %dma_start3A_20 = arith.constant 0 : i32
    %dma_start3A_21 = tpu.memref_slice %arg4[%add3A_17, %dma_start3A_20] : memref<327680x64xf32, #tpu.memory_space<hbm>> -> memref<256x64xf32, #tpu.memory_space<hbm>>
    tpu.enqueue_dma source(%arg6 : memref<256x64xf32, #tpu.memory_space<vmem>>) target(%dma_start3A_21 : memref<256x64xf32, #tpu.memory_space<hbm>>) target_semaphore(%arg10 : memref<!tpu.dma_semaphore, #tpu.memory_space<semaphore_mem>>)
    %scan3A = arith.constant 0 : i32
    %scan3A_22 = arith.constant 1 : i32
    %scan3A_23 = arith.constant 19 : i32
    %scan3A_24 = arith.addi %scan3A_22, %scan3A_23 : i32
    %scan3A_25 = arith.constant 1 : i32
    scf.for %scan3A_50 = %scan3A_22 to %scan3A_24 step %scan3A_25  : i32 {
      %mul3A_51 = arith.constant 2 : i32
      %mul3A_52 = arith.muli %mul3A_51, %scan3A_50 : i32
      %sub3A = arith.constant 2 : i32
      %sub3A_53 = arith.subi %mul3A_52, %sub3A : i32
      %mul3A_54 = arith.constant 256 : i32
      %mul3A_55 = arith.muli %sub3A_53, %mul3A_54 : i32
      %add3A_56 = arith.addi %mul3A_2, %mul3A_55 : i32
      %dma_wait3A_57 = arith.constant 0 : i32
      %dma_wait3A_58 = tpu.memref_slice %arg4[%add3A_56, %dma_wait3A_57] : memref<327680x64xf32, #tpu.memory_space<hbm>> -> memref<256x64xf32, #tpu.memory_space<hbm>>
      %dma_wait3A_59 = arith.constant 0 : i32
      %dma_wait3A_60 = tpu.memref_slice %arg4[%add3A_56, %dma_wait3A_59] : memref<327680x64xf32, #tpu.memory_space<hbm>> -> memref<256x64xf32, #tpu.memory_space<hbm>>
      tpu.wait_dma2 semaphore(%arg10 : memref<!tpu.dma_semaphore, #tpu.memory_space<semaphore_mem>>) src(%arg6 : memref<256x64xf32, #tpu.memory_space<vmem>>) dst(%dma_wait3A_60 : memref<256x64xf32, #tpu.memory_space<hbm>>)
      %mul3A_61 = arith.constant 256 : i32
      %mul3A_62 = arith.muli %mul3A_52, %mul3A_61 : i32
      %dma_start3A_63 = tpu.memref_slice %arg5[%mul3A_62] : memref<10240xi32, #tpu.memory_space<vmem>> -> memref<256xi32, #tpu.memory_space<vmem>>
      %dma_start3A_64 = arith.constant 0 : i32
      %dma_start3A_65 = arith.constant 0 : i32
      %dma_start3A_66 = tpu.memref_slice %arg3[%dma_start3A_64, %dma_start3A_65] : memref<100000x64xf32, #tpu.memory_space<hbm>> -> memref<100000x64xf32, #tpu.memory_space<hbm>>
      tpu.enqueue_indirect_dma source(%dma_start3A_66 : memref<100000x64xf32, #tpu.memory_space<hbm>>) target(%arg6 : memref<256x64xf32, #tpu.memory_space<vmem>>) offsets(%dma_start3A_63 : memref<256xi32, #tpu.memory_space<vmem>>) semaphore(%arg8 : memref<!tpu.dma_semaphore, #tpu.memory_space<semaphore_mem>>)
      %sub3A_67 = arith.constant 1 : i32
      %sub3A_68 = arith.subi %mul3A_52, %sub3A_67 : i32
      %mul3A_69 = arith.constant 256 : i32
      %mul3A_70 = arith.muli %sub3A_68, %mul3A_69 : i32
      %dma_wait3A_71 = tpu.memref_slice %arg5[%mul3A_70] : memref<10240xi32, #tpu.memory_space<vmem>> -> memref<256xi32, #tpu.memory_space<vmem>>
      %dma_wait3A_72 = arith.constant 0 : i32
      %dma_wait3A_73 = arith.constant 0 : i32
      %dma_wait3A_74 = tpu.memref_slice %arg3[%dma_wait3A_72, %dma_wait3A_73] : memref<100000x64xf32, #tpu.memory_space<hbm>> -> memref<100000x64xf32, #tpu.memory_space<hbm>>
      tpu.wait_indirect_dma semaphore(%arg9 : memref<!tpu.dma_semaphore, #tpu.memory_space<semaphore_mem>>) src(%dma_wait3A_74 : memref<100000x64xf32, #tpu.memory_space<hbm>>) dst(%arg7 : memref<256x64xf32, #tpu.memory_space<vmem>>)
      %sub3A_75 = arith.constant 1 : i32
      %sub3A_76 = arith.subi %mul3A_52, %sub3A_75 : i32
      %mul3A_77 = arith.constant 256 : i32
      %mul3A_78 = arith.muli %sub3A_76, %mul3A_77 : i32
      %add3A_79 = arith.addi %mul3A_2, %mul3A_78 : i32
      %dma_start3A_80 = arith.constant 0 : i32
      %dma_start3A_81 = tpu.memref_slice %arg4[%add3A_79, %dma_start3A_80] : memref<327680x64xf32, #tpu.memory_space<hbm>> -> memref<256x64xf32, #tpu.memory_space<hbm>>
      %dma_start3A_82 = arith.constant 0 : i32
      %dma_start3A_83 = tpu.memref_slice %arg4[%add3A_79, %dma_start3A_82] : memref<327680x64xf32, #tpu.memory_space<hbm>> -> memref<256x64xf32, #tpu.memory_space<hbm>>
      tpu.enqueue_dma source(%arg7 : memref<256x64xf32, #tpu.memory_space<vmem>>) target(%dma_start3A_83 : memref<256x64xf32, #tpu.memory_space<hbm>>) target_semaphore(%arg11 : memref<!tpu.dma_semaphore, #tpu.memory_space<semaphore_mem>>)
      %sub3A_84 = arith.constant 1 : i32
      %sub3A_85 = arith.subi %mul3A_52, %sub3A_84 : i32
      %mul3A_86 = arith.constant 256 : i32
      %mul3A_87 = arith.muli %sub3A_85, %mul3A_86 : i32
      %add3A_88 = arith.addi %mul3A_2, %mul3A_87 : i32
      %dma_wait3A_89 = arith.constant 0 : i32
      %dma_wait3A_90 = tpu.memref_slice %arg4[%add3A_88, %dma_wait3A_89] : memref<327680x64xf32, #tpu.memory_space<hbm>> -> memref<256x64xf32, #tpu.memory_space<hbm>>
      %dma_wait3A_91 = arith.constant 0 : i32
      %dma_wait3A_92 = tpu.memref_slice %arg4[%add3A_88, %dma_wait3A_91] : memref<327680x64xf32, #tpu.memory_space<hbm>> -> memref<256x64xf32, #tpu.memory_space<hbm>>
      tpu.wait_dma2 semaphore(%arg11 : memref<!tpu.dma_semaphore, #tpu.memory_space<semaphore_mem>>) src(%arg7 : memref<256x64xf32, #tpu.memory_space<vmem>>) dst(%dma_wait3A_92 : memref<256x64xf32, #tpu.memory_space<hbm>>)
      %add3A_93 = arith.constant 1 : i32
      %add3A_94 = arith.addi %mul3A_52, %add3A_93 : i32
      %mul3A_95 = arith.constant 256 : i32
      %mul3A_96 = arith.muli %add3A_94, %mul3A_95 : i32
      %dma_start3A_97 = tpu.memref_slice %arg5[%mul3A_96] : memref<10240xi32, #tpu.memory_space<vmem>> -> memref<256xi32, #tpu.memory_space<vmem>>
      %dma_start3A_98 = arith.constant 0 : i32
      %dma_start3A_99 = arith.constant 0 : i32
      %dma_start3A_100 = tpu.memref_slice %arg3[%dma_start3A_98, %dma_start3A_99] : memref<100000x64xf32, #tpu.memory_space<hbm>> -> memref<100000x64xf32, #tpu.memory_space<hbm>>
      tpu.enqueue_indirect_dma source(%dma_start3A_100 : memref<100000x64xf32, #tpu.memory_space<hbm>>) target(%arg7 : memref<256x64xf32, #tpu.memory_space<vmem>>) offsets(%dma_start3A_97 : memref<256xi32, #tpu.memory_space<vmem>>) semaphore(%arg9 : memref<!tpu.dma_semaphore, #tpu.memory_space<semaphore_mem>>)
      %mul3A_101 = arith.constant 256 : i32
      %mul3A_102 = arith.muli %mul3A_52, %mul3A_101 : i32
      %dma_wait3A_103 = tpu.memref_slice %arg5[%mul3A_102] : memref<10240xi32, #tpu.memory_space<vmem>> -> memref<256xi32, #tpu.memory_space<vmem>>
      %dma_wait3A_104 = arith.constant 0 : i32
      %dma_wait3A_105 = arith.constant 0 : i32
      %dma_wait3A_106 = tpu.memref_slice %arg3[%dma_wait3A_104, %dma_wait3A_105] : memref<100000x64xf32, #tpu.memory_space<hbm>> -> memref<100000x64xf32, #tpu.memory_space<hbm>>
      tpu.wait_indirect_dma semaphore(%arg8 : memref<!tpu.dma_semaphore, #tpu.memory_space<semaphore_mem>>) src(%dma_wait3A_106 : memref<100000x64xf32, #tpu.memory_space<hbm>>) dst(%arg6 : memref<256x64xf32, #tpu.memory_space<vmem>>)
      %mul3A_107 = arith.constant 256 : i32
      %mul3A_108 = arith.muli %mul3A_52, %mul3A_107 : i32
      %add3A_109 = arith.addi %mul3A_2, %mul3A_108 : i32
      %dma_start3A_110 = arith.constant 0 : i32
      %dma_start3A_111 = tpu.memref_slice %arg4[%add3A_109, %dma_start3A_110] : memref<327680x64xf32, #tpu.memory_space<hbm>> -> memref<256x64xf32, #tpu.memory_space<hbm>>
      %dma_start3A_112 = arith.constant 0 : i32
      %dma_start3A_113 = tpu.memref_slice %arg4[%add3A_109, %dma_start3A_112] : memref<327680x64xf32, #tpu.memory_space<hbm>> -> memref<256x64xf32, #tpu.memory_space<hbm>>
      tpu.enqueue_dma source(%arg6 : memref<256x64xf32, #tpu.memory_space<vmem>>) target(%dma_start3A_113 : memref<256x64xf32, #tpu.memory_space<hbm>>) target_semaphore(%arg10 : memref<!tpu.dma_semaphore, #tpu.memory_space<semaphore_mem>>)
    }
    %scan3A_26 = arith.constant 19 : i32
    %dma_wait3A_27 = arith.constant 9984 : i32
    %dma_wait3A_28 = tpu.memref_slice %arg5[%dma_wait3A_27] : memref<10240xi32, #tpu.memory_space<vmem>> -> memref<256xi32, #tpu.memory_space<vmem>>
    %dma_wait3A_29 = arith.constant 0 : i32
    %dma_wait3A_30 = arith.constant 0 : i32
    %dma_wait3A_31 = tpu.memref_slice %arg3[%dma_wait3A_29, %dma_wait3A_30] : memref<100000x64xf32, #tpu.memory_space<hbm>> -> memref<100000x64xf32, #tpu.memory_space<hbm>>
    tpu.wait_indirect_dma semaphore(%arg9 : memref<!tpu.dma_semaphore, #tpu.memory_space<semaphore_mem>>) src(%dma_wait3A_31 : memref<100000x64xf32, #tpu.memory_space<hbm>>) dst(%arg7 : memref<256x64xf32, #tpu.memory_space<vmem>>)
    %add3A_32 = arith.constant 9984 : i32
    %add3A_33 = arith.addi %mul3A_2, %add3A_32 : i32
    %dma_start3A_34 = arith.constant 0 : i32
    %dma_start3A_35 = tpu.memref_slice %arg4[%add3A_33, %dma_start3A_34] : memref<327680x64xf32, #tpu.memory_space<hbm>> -> memref<256x64xf32, #tpu.memory_space<hbm>>
    %dma_start3A_36 = arith.constant 0 : i32
    %dma_start3A_37 = tpu.memref_slice %arg4[%add3A_33, %dma_start3A_36] : memref<327680x64xf32, #tpu.memory_space<hbm>> -> memref<256x64xf32, #tpu.memory_space<hbm>>
    tpu.enqueue_dma source(%arg7 : memref<256x64xf32, #tpu.memory_space<vmem>>) target(%dma_start3A_37 : memref<256x64xf32, #tpu.memory_space<hbm>>) target_semaphore(%arg11 : memref<!tpu.dma_semaphore, #tpu.memory_space<semaphore_mem>>)
    %add3A_38 = arith.constant 9728 : i32
    %add3A_39 = arith.addi %mul3A_2, %add3A_38 : i32
    %dma_wait3A_40 = arith.constant 0 : i32
    %dma_wait3A_41 = tpu.memref_slice %arg4[%add3A_39, %dma_wait3A_40] : memref<327680x64xf32, #tpu.memory_space<hbm>> -> memref<256x64xf32, #tpu.memory_space<hbm>>
    %dma_wait3A_42 = arith.constant 0 : i32
    %dma_wait3A_43 = tpu.memref_slice %arg4[%add3A_39, %dma_wait3A_42] : memref<327680x64xf32, #tpu.memory_space<hbm>> -> memref<256x64xf32, #tpu.memory_space<hbm>>
    tpu.wait_dma2 semaphore(%arg10 : memref<!tpu.dma_semaphore, #tpu.memory_space<semaphore_mem>>) src(%arg6 : memref<256x64xf32, #tpu.memory_space<vmem>>) dst(%dma_wait3A_43 : memref<256x64xf32, #tpu.memory_space<hbm>>)
    %add3A_44 = arith.constant 9984 : i32
    %add3A_45 = arith.addi %mul3A_2, %add3A_44 : i32
    %dma_wait3A_46 = arith.constant 0 : i32
    %dma_wait3A_47 = tpu.memref_slice %arg4[%add3A_45, %dma_wait3A_46] : memref<327680x64xf32, #tpu.memory_space<hbm>> -> memref<256x64xf32, #tpu.memory_space<hbm>>
    %dma_wait3A_48 = arith.constant 0 : i32
    %dma_wait3A_49 = tpu.memref_slice %arg4[%add3A_45, %dma_wait3A_48] : memref<327680x64xf32, #tpu.memory_space<hbm>> -> memref<256x64xf32, #tpu.memory_space<hbm>>
    tpu.wait_dma2 semaphore(%arg11 : memref<!tpu.dma_semaphore, #tpu.memory_space<semaphore_mem>>) src(%arg7 : memref<256x64xf32, #tpu.memory_space<vmem>>) dst(%dma_wait3A_49 : memref<256x64xf32, #tpu.memory_space<hbm>>)
    return
  }
}

</mosaic_0001>

<sc_bundles>
// kernel: kernel.11.cloned.1.call-start
scs
__scs_entry_jumppad:
0x0: {  	(pc) =	sbr.rel $0x88, $3  }
0x1: {  	(tag) =	ssettag $0x0;
	lr =	simm.s32 $0x1  }
0x2: {  	[smem:$0x3F9B] =	sst lr;
	_ =	strace $0xD0000000  }
0x3: {  	_ = 	snop  }
0x4: {  	_ = 	snop  }
0x5: {  	_ = 	snop  }
0x6: {  	_ = 	snop  }
0x7: {  	_ = 	snop  }
__scs_overlays_trampoline_lowered:
0x8: {  	[smem:$0x3FAA] =	sst s0  }
0x9: {  	[smem:$0x3FAB] =	sst s1  }
0xa: {  	[smem:$0x3FAC] =	sst s2  }
0xb: {  	[smem:$0x3FAD] =	sst s3  }
0xc: {  	[smem:$0x3FAE] =	sst s4  }
0xd: {  	[smem:$0x3FAF] =	sst s5  }
0xe: {  	[smem:$0x3FB0] =	sst s6  }
0xf: {  	[smem:$0x3FB1] =	sst s7  }
0x10: {  	[smem:$0x3FB2] =	sst s8  }
0x11: {  	[smem:$0x3FB3] =	sst s9;
	s0 =	simm.s32 @!p0 $0x0  }
0x12: {  	s1 =	sld [smem:$0x3F99];
	s0 =	simm.s32 @p0 $0x1  }
0x13: {  	[smem:$0x3FB4] =	sst s0;
	s0 =	simm.s32 @!p1 $0x0  }
0x14: {  	s2 =	sld [smem:$0x3F98];
	s0 =	simm.s32 @p1 $0x1  }
0x15: {  	[smem:$0x3FB5] =	sst s0;
	s0 =	simm.s32 @!p2 $0x0  }
0x16: {  	s3 =	sld [smem:$0x3FDB];
	s0 =	simm.s32 @p2 $0x1  }
0x17: {  	s4 =	simm.s32 $0x1BF5;
	[smem:$0x3FB7] =	sst s0  }
0x18: {  	s0 =	sld [smem:$0x3F9A];
	_ =	swait.ge [sflag:s4], $0x0  }
0x19: {  	s7 =	sld [smem:$0x3F9B]  }
0x1a: {  	s8 =	sadd.s32 $0xFFFFE003, lr  }
0x1b: {  	s9 =	sadd.s32 $0xFFFFFEF7, lr;
	s5 =	simm.s32 $0xFFFFFFFF;
	p2 =	slt.u32 s8, $0xFFFFF086  }
0x1c: {  	p1 =	slt.u32 s9, $0xF7A;
	s5 =	simm.s32 @!p2 $0x0  }
0x1d: {  	s5 =	simm.s32 @p1 $0x1;
	p0 =	seq.s32 s7, s2  }
0x1e: {  	s7 =	smul.u32 @!p0 $0xF7A, s2;
	p2 =	seq.s32 @!p0 s5, $0x0  }
0x1f: {  	s9 =	smul.u32 $0xF7A, s1;
	s8 =	simm.s32 @!p0 $0x1BF5;
	p2 =	por !p2, p0  }
0x20: {  	[sflag:s8] =	ssyncset.s32 @!p0 $0xFFFFF086;
	s6 =	sadd.s32 @!p0 s3, s7;
	s7 =	simm.s32 @!p0 $0x108  }
0x21: {  	s3 =	sadd.s32 s3, s9;
	s6 =	sadd.s32 @!p0 $0x88, s6;
	s7 =	simm.s32 @p2 $0x1082  }
0x22: {  	[simem:s7], [sflag:s8] =	dma.local @!p0 [hbm:s6], $0xF7A  }
0x23: {  	s9 =	sor.u32 $0xD0000000, s2;
	s6 =	simm.s32 $0x108;
	_ =	swait.ge @!p0 [sflag:s8], $0x0  }
0x24: {  	s3 =	sadd.s32 $0x88, s3;
	s6 =	simm.s32 @!p1 $0x1082;
	[sflag:s4] =	ssyncset.s32 $0xFFFFF086  }
0x25: {  	[simem:s6], [sflag:s4] =	dma.local [hbm:s3], $0xF7A  }
0x26: {  	[smem:$0x3F9B] =	sst s1;
	(tag) =	ssettag s2;
	_ =	strace s9  }
0x27: {  	s1 =	sld [smem:$0x3FAB]  }
0x28: {  	s2 =	sld [smem:$0x3FAC]  }
0x29: {  	s4 =	sld [smem:$0x3FAE]  }
0x2a: {  	p0 =	seq.s32 s5, $0x0;
	s5 =	sld [smem:$0x3FAF]  }
0x2b: {  	s6 =	sld [smem:$0x3FB0]  }
0x2c: {  	s7 =	sld [smem:$0x3FB1]  }
0x2d: {  	s3 =	simm.s32 $0x108;
	s8 =	sld [smem:$0x3FB2]  }
0x2e: {  	s3 =	simm.s32 @!p0 $0x1082;
	s9 =	sld [smem:$0x3FB3]  }
0x2f: {  	lr =	sadd.s32 s0, s3;
	s0 =	sld [smem:$0x3FAA]  }
0x30: {  	s3 =	sld [smem:$0x3FAD]  }
0x31: {  	[smem:$0x3FB6] =	sst s10  }
0x32: {  	s10 =	sld [smem:$0x3FB4];
	_ =	sdelay $0x3  }
0x33: {  	p0 =	seq.s32 s10, $0x1;
	s10 =	sld [smem:$0x3FB6];
	_ =	sdelay $0x3  }
0x34: {  	[smem:$0x3FB6] =	sst s10  }
0x35: {  	s10 =	sld [smem:$0x3FB5];
	_ =	sdelay $0x3  }
0x36: {  	p1 =	seq.s32 s10, $0x1;
	s10 =	sld [smem:$0x3FB6];
	_ =	sdelay $0x3  }
0x37: {  	[smem:$0x3FB6] =	sst s10  }
0x38: {  	s10 =	sld [smem:$0x3FB7]  }
0x39: {  	_ = 	snop;
	(pc) =	sbr.ind lr, $3  }
0x3a: {  	_ = 	snop  }
0x3b: {  	_ = 	snop  }
0x3c: {  	p2 =	seq.s32 s10, $0x1;
	s10 =	sld [smem:$0x3FB6]  }
0x3d: {  	_ =	shalt  }
0x3e: {  	_ =	shalt  }
0x3f: {  	_ =	shalt  }
0x40: {  	_ =	shalt  }
0x41: {  	_ =	shalt  }
0x42: {  	_ =	shalt  }
0x43: {  	_ =	shalt  }
0x44: {  	_ =	shalt  }
0x45: {  	_ =	shalt  }
0x46: {  	_ =	shalt  }
0x47: {  	_ =	shalt  }
0x48: {  	_ =	shalt  }
0x49: {  	_ =	shalt  }
0x4a: {  	_ =	shalt  }
0x4b: {  	_ =	shalt  }
0x4c: {  	_ =	shalt  }
0x4d: {  	_ =	shalt  }
0x4e: {  	_ =	shalt  }
0x4f: {  	_ =	shalt  }
0x50: {  	_ =	shalt  }
0x51: {  	_ =	shalt  }
0x52: {  	_ =	shalt  }
0x53: {  	_ =	shalt  }
0x54: {  	_ =	shalt  }
0x55: {  	_ =	shalt  }
0x56: {  	_ =	shalt  }
0x57: {  	_ =	shalt  }
0x58: {  	_ =	shalt  }
0x59: {  	_ =	shalt  }
0x5a: {  	_ =	shalt  }
0x5b: {  	_ =	shalt  }
0x5c: {  	_ =	shalt  }
0x5d: {  	_ =	shalt  }
0x5e: {  	_ =	shalt  }
0x5f: {  	_ =	shalt  }
0x60: {  	_ =	shalt  }
0x61: {  	_ =	shalt  }
0x62: {  	_ =	shalt  }
0x63: {  	_ =	shalt  }
0x64: {  	_ =	shalt  }
0x65: {  	_ =	shalt  }
0x66: {  	_ =	shalt  }
0x67: {  	_ =	shalt  }
0x68: {  	_ =	shalt  }
0x69: {  	_ =	shalt  }
0x6a: {  	_ =	shalt  }
0x6b: {  	_ =	shalt  }
0x6c: {  	_ =	shalt  }
0x6d: {  	_ =	shalt  }
0x6e: {  	_ =	shalt  }
0x6f: {  	_ =	shalt  }
0x70: {  	_ =	shalt  }
0x71: {  	_ =	shalt  }
0x72: {  	_ =	shalt  }
0x73: {  	_ =	shalt  }
0x74: {  	_ =	shalt  }
0x75: {  	_ =	shalt  }
0x76: {  	_ =	shalt  }
0x77: {  	_ =	shalt  }
0x78: {  	_ =	shalt  }
0x79: {  	_ =	shalt  }
0x7a: {  	_ =	shalt  }
0x7b: {  	_ =	shalt  }
0x7c: {  	_ =	shalt  }
0x7d: {  	_ =	shalt  }
0x7e: {  	_ =	shalt  }
0x7f: {  	_ =	shalt  }
0x80: {  	_ =	shalt  }
0x81: {  	_ =	shalt  }
0x82: {  	_ =	shalt  }
0x83: {  	_ =	shalt  }
0x84: {  	_ =	shalt  }
0x85: {  	_ =	shalt  }
0x86: {  	_ =	shalt  }
0x87: {  	_ =	shalt  }
.Lfunc_end0:
.L_simem_size_0:
called_computation.5_lowered:
.L_overlay_start_0:
0x88: {  	s2 =	sld [smem:$0x3FD9]  }
0x89: {  	s3 =	sld [smem:$0x3FFE];
	_ =	sdelay $0x1  }
0x8a: {  	s1 =	srdreg.scid  }
0x8b: {  	s0 =	sand.u32 $0x1, s1  }
0x8c: {  	s15 =	sshll.u32 s0, $0xA;
	s2 =	sadd.s32 s3, s2  }
0x8d: {  	s2 =	sadd.s32 s2, s15  }
0x8e: {  	[smem:$0x3FC2] =	sst s2  }
0x8f: {  	_ = 	snop  }
0x90: {  	s2 =	sld [smem:$0x3FD0];
	_ =	sdelay $0x2  }
0x91: {  	s16 =	simm.s32 $0xC;
	s4 =	simm.s32 $0x10  }
0x92: {  	[smem:s4], [sflag:s16] =	dma.local [hbm:s2], $0x1  }
0x93: {  	_ =	swait.eq [sflag:s16], $0x1  }
0x94: {  	[sflag:s16] =	ssyncset.done $0x0  }
0x95: {  	[sflag:s16] =	ssyncadd.s32 $0xFFFFFFFF  }
0x96: {  	s17 =	sld [smem:$0x12];
	(tm) =	ssettm $0x1  }
0x97: {  	s18 =	sld [smem:$0x3FFB];
	_ =	sdelay $0x3  }
0x98: {  	_ =	strace s18  }
0x99: {  	s2 =	sld [smem:$0x3FFC];
	_ =	sdelay $0x3  }
0x9a: {  	_ =	strace s2  }
0x9b: {  	s2 =	sld [smem:$0x3FFD];
	_ =	sdelay $0x3  }
0x9c: {  	_ =	strace s2  }
0x9d: {  	_ =	strace $0x8FFFFFFF  }
0x9e: {  	s19 =	sld [smem:$0x3FDB];
	_ =	sdelay $0x1  }
0x9f: {  	s20 =	simm.s32 $_scs_section_size  }
0xa0: {  	s5 =	simm.s32 $_size__tile_overlayer_lowered;
	s6 =	simm.s32 $_tile_overlayer_lowered  }
0xa1: {  	s7 =	simm.s32 $0x1BFF;
	s21 =	sshll.u32 s6, $0x1;
	s4 =	sadd.s32 s20, s19  }
0xa2: {  	s22 =	simm.s32 $0x0;
	s5 =	sshll.u32 s5, $0x1;
	s6 =	sadd.s32 s21, s4  }
0xa3: {  	[timem:s22], [sflag:s7] =	dma.local [hbm:s6], s5  }
0xa4: {  	_ =	swait.ge [sflag:s7], s5  }
0xa5: {  	s5 =	ssub.s32 $0x0, s5;
	[sflag:s7] =	ssyncset.done $0x0  }
0xa6: {  	[sflag:s7] =	ssyncadd.s32 s5;
	_ =	sdelay $0x1  }
0xa7: {  	s23 =	simm.s32 $0x1B8B  }
0xa8: {  	_ =	swait.ge [sflag:s23], $0x1  }
0xa9: {  	[sflag:s23] =	ssyncset.done $0x0  }
0xaa: {  	[sflag:s23] =	ssyncadd.s32 $0xFFFFFFFF  }
0xab: {  	s5 =	sld [smem:$0x0]  }
0xac: {  	s6 =	sand.u32 $0xFFFFFFFE, s1  }
0xad: {  	p0 =	sne.s32 s1, s6  }
0xae: {  	s6 =	sshll.u32 @p0 s6, $0xE  }
0xaf: {  	s6 =	sadd.s32 @p0 $0x11B8D, s6;
	s7 =	sshll.u32 @p0 s5, $0x11  }
0xb0: {  	s6 =	sor.u32 @p0 s7, s6  }
0xb1: {  	[sflag:s6] =	ssyncadd.remote.s32 @p0 $0x1;
	_ =	sdelay $0x1  }
0xb2: {  	s6 =	simm.s32 @p0 $0x1B8D  }
0xb3: {  	_ =	swait.eq @p0 [sflag:s6], $0x1  }
0xb4: {  	[sflag:s6] =	ssyncadd.s32 @p0 $0xFFFFFFFF  }
0xb5: {  	s7 =	sshll.u32 @!p0 s1, $0xE  }
0xb6: {  	s7 =	sor.u32 @!p0 $0x4000, s7;
	s6 =	simm.s32 @!p0 $0x1B8D  }
0xb7: {  	s5 =	sshll.u32 @!p0 s5, $0x11;
	s7 =	sadd.s32 @!p0 $0x11B8D, s7;
	_ =	swait.eq @!p0 [sflag:s6], $0x1  }
0xb8: {  	s5 =	sor.u32 @!p0 s5, s7;
	[sflag:s6] =	ssyncadd.s32 @!p0 $0xFFFFFFFF  }
0xb9: {  	s25 =	simm.s32 $0x1B8E;
	s24 =	sld [smem:$0x3FFE];
	[sflag:s5] =	ssyncadd.remote.s32 @!p0 $0x1  }
0xba: {  	s26 =	simm.s32 $execute0_lowered;
	[smem:$0x3FD2] =	sst s25  }
0xbb: {  	s6 =	sshll.u32 s26, $0x1;
	_ =	strace $0x8000004C;
	[dreg:$0x1] =	wrdreg $0xFFFFFFFF  }
0xbc: {  	s28 =	simm.s32 $_size_execute0_lowered;
	s4 =	sadd.s32 s4, s6;
	[dreg:$0x0] =	wrdreg $0x0  }
0xbd: {  	s6 =	sshll.u32 s28, $0x1;
	[dreg:$0x2] =	wrdreg s4  }
0xbe: {  	[dreg:$0x3] =	wrdreg s6  }
0xbf: {  	[dreg:$0x4] =	wrdreg $0xC0  }
0xc0: {  	_ =	task [dreg:s22], $0x5FFFF  }
0xc1: {  	[dreg:$0x1] =	wrdreg $0xFFFFFFFF  }
0xc2: {  	[dreg:$0x0] =	wrdreg $0x60  }
0xc3: {  	[dreg:$0x2] =	wrdreg s24  }
0xc4: {  	[dreg:$0x3] =	wrdreg s17  }
0xc5: {  	[dreg:$0x4] =	wrdreg $0xA8000  }
0xc6: {  	[dreg:$0x5] =	wrdreg $0xA  }
0xc7: {  	_ =	task.clear_ibuf [dreg:s22], $0x6FFFF;
	_ =	strace $0x9000004C  }
0xc8: {  	s29 =	simm.s32 $0xA;
	_ =	strace $0x8000004E  }
0xc9: {  	_ =	swait.ge [sflag:s29], $0x1  }
0xca: {  	[sflag:s29] =	ssyncadd.s32 $0xFFFFFFFF  }
0xcb: {  	_ =	strace $0x9000004E  }
0xcc: {  	_ =	sfence  }
0xcd: {  	s30 =	sld [smem:$0x0];
	_ =	sdelay $0x2  }
0xce: {  	s31 =	sshll.u32 s1, $0xD;
	s1 =	sshrl.u32 s1, $0x2  }
0xcf: {  	s4 =	sand.u32 $0x4000, s31;
	s1 =	sadd.s32 s1, s30  }
0xd0: {  	s0 =	sor.u32 s4, s0;
	s1 =	sshll.u32 s1, $0x11  }
0xd1: {  	s0 =	sor.u32 s1, s0  }
0xd2: {  	s0 =	sadd.s32 $0x8F2B, s0  }
0xd3: {  	[sflag:s0] =	ssyncadd.remote.s32 $0x1  }
0xd4: {  	_ =	sfence.sel $0xFFFF  }
0xd5: {  	[dreg:$0x0] =	wrdreg $0xFFFFFFFF;
	(pc) =	sbr.abs _section_cstart, $3  }
0xd6: {  	[dreg:$0x1] =	wrdreg $0xFFFFFFFF  }
0xd7: {  	_ =	task.clear_ibuf [dreg:s22], $0x2FFFF;
	_ =	strace $0x9FFFFFFF  }
0xd8: {  	(tm) =	ssettm $0x7FFFFFFF  }
0xd9: {  	_ =	shalt  }
tec
execute0_lowered:
.L_overlay_start_1:
0x0: {  	(tag) =	ssettag $0x1  }
0x1: {  	s3 =	rddreg [dreg:$0x0]  }
0x2: {  	s0 =	srdreg.scid;
	s9 =	rddreg [dreg:$0x1]  }
0x3: {  	s8 =	stileid.u32;
	s1 =	rddreg [dreg:$0x2];
	s2 =	simm.s32 $0x0  }
0x4: {  	s14 =	simm.s32 $0x6800;
	s15 =	simm.s32 $0x1;
	s16 =	simm.s32 $0x3  }
0x5: {  	s17 =	simm.s32 $0x2;
	s18 =	simm.s32 $0x4;
	s19 =	simm.s32 $0x0  }
0x6: {  	s4 =	sand.u32 $0x1, s0;
	s29 =	sshll.u32 s8, $0x1;
	s11 =	smul.u32 $0x5000, s8  }
0x7: {  	s0 =	rddreg [dreg:$0x3];
	s5 =	sor.u32 s4, s29;
	s13 =	smul.u32 $0x2800, s4  }
0x8: {  	[smem:$0x7FF] =	sst s2;
	s10 =	ssub.s32 $0x2, s4;
	s6 =	smul.u32 $0x2800, s5  }
0x9: {  	p0 =	sne.s32 s8, $0x0;
	s7 =	smul.u32 $0xA0000, s5;
	s12 =	sshrl.u32 s10, $0x1  }
0xa: {  	_ =	strace $0x8000004D;
	s5 =	smul.u32 $0x14000, s5;
	s10 =	ssub.s32 s10, s12  }
0xb: {  	s31 =	sadd.s32 s13, s11;
	s12 =	simm.s32 $0x100;
	s13 =	simm.s32 $0x2800  }
0xc: {  	s6 =	sshrl.u32 s6, $0x3;
	s7 =	sshrl.u32 s7, $0x3;
	s5 =	sadd.s32 s9, s5  }
0xd: {  	s11 =	sshll.u32 s31, $0x3;
	s6 =	sadd.s32 s6, s3;
	s3 =	sadd.s32 $0xE3800, s3  }
0xe: {  	s30 =	sadd.s32 s9, s7;
	s7 =	smax.u32 s10, $0x1;
	s9 =	sadd.s32 s11, s9  }
0xf: {  	s10 =	sshrl.u32 @!p0 s1, $0x3;
	s11 =	simm.s32 $0x5;
	s4 =	sadd.s32 $0xD9800, s6  }
0x10: {  	s6 =	sadd.s32 $0x13800, s30;
	s8 =	sadd.s32 $0x800, s9;
	s9 =	sadd.s32 $0x1000, s9  }
.LBB2_1:
0x11: {  	s20 =	simm.s32 @!p0 $0x1C05  }
0x12: {  	[spmem:s10], [sflag:s20] =	dma.local @!p0 [hbm:s3], $0x1F40  }
0x13: {  	s20 =	simm.s32 @!p0 $0x5  }
0x14: {  	_ =	swait.ge @!p0 [sflag:s20], $0x1F40  }
0x15: {  	[sflag:s20] =	ssyncset.done @!p0 $0x0  }
0x16: {  	[sflag:s20] =	ssyncadd.s32 @!p0 $0xFFFFE0C0  }
0x17: {  	[tilespmem:s2], [sflag:$0x5] =	stream.linear.gather [hbm4b:s4+s2], $0x2800, $0x38;
	[tilespmem:$0xB7A0] =	vst v63  }
0x18: {  	_ =	swait.ge [sflag:s11], $0x2800  }
0x19: {  	[sflag:s11] =	ssyncset.done $0x0  }
0x1a: {  	[sflag:s11] =	ssyncadd.s32 $0xFFFFD800  }
0x1b: {  	[bflag:$0x0] =	sbarrier.arrive $0xFFFF  }
0x1c: {  	[tilespmem:s13], [sflag:$0x1] =	stream.indirect.gather [spmem:s1], $0x40, s2, s12, $0xb8;
	[tilespmem:$0xB7A0] =	vst v63  }
0x1d: {  	_ = 	snop  }
0x1e: {  	[tilespmem:s14], [sflag:$0x2] =	stream.indirect.gather [spmem:s1], $0x40, s12, s12, $0xb8;
	[tilespmem:$0xB7A0] =	vst v63  }
0x1f: {  	_ =	swait.ge [sflag:s15], $0x4000  }
0x20: {  	[sflag:s15] =	ssyncset.done $0x0  }
0x21: {  	[sflag:s15] =	ssyncadd.s32 $0xFFFFC000  }
0x22: {  	[hbm4b:s5+s2] =	stream.linear.scatter [tilespmem:s13], [sflag:$0x3], $0x4000, $0x38;
	[tilespmem:$0xB7A0] =	vst v63  }
0x23: {  	_ =	swait.ge [sflag:s16], $0x4000  }
0x24: {  	[sflag:s16] =	ssyncset.done $0x0  }
0x25: {  	s29 =	simm.s32 $0x200;
	[sflag:s16] =	ssyncadd.s32 $0xFFFFC000  }
0x26: {  	[tilespmem:s13], [sflag:$0x1] =	stream.indirect.gather [spmem:s1], $0x40, s29, s12, $0xb8;
	[tilespmem:$0xB7A0] =	vst v63  }
0x27: {  	_ =	swait.ge [sflag:s17], $0x4000  }
0x28: {  	[sflag:s17] =	ssyncset.done $0x0  }
0x29: {  	s30 =	sadd.s32 $0x0, s8;
	[sflag:s17] =	ssyncadd.s32 $0xFFFFC000  }
0x2a: {  	[hbm4b:s30+s2] =	stream.linear.scatter [tilespmem:s14], [sflag:$0x4], $0x4000, $0x38;
	[tilespmem:$0xB7A0] =	vst v63  }
0x2b: {  	_ =	swait.ge [sflag:s18], $0x4000  }
0x2c: {  	[sflag:s18] =	ssyncset.done $0x0  }
0x2d: {  	s31 =	simm.s32 $0x300;
	[sflag:s18] =	ssyncadd.s32 $0xFFFFC000  }
0x2e: {  	[tilespmem:s14], [sflag:$0x2] =	stream.indirect.gather [spmem:s1], $0x40, s31, s12, $0xb8;
	[tilespmem:$0xB7A0] =	vst v63  }
0x2f: {  	_ =	swait.ge [sflag:s15], $0x4000  }
0x30: {  	s22 =	sadd.s32 $0x0, s9;
	[sflag:s15] =	ssyncset.done $0x0  }
0x31: {  	s21 =	simm.s32 $0x500;
	s20 =	simm.s32 $0x1000;
	[sflag:s15] =	ssyncadd.s32 $0xFFFFC000  }
.LBB2_2:
0x32: {  	[hbm4b:s22+s2] =	stream.linear.scatter [tilespmem:s13], [sflag:$0x3], $0x4000, $0x38;
	[tilespmem:$0xB7A0] =	vst v63  }
0x33: {  	s22 =	smov.u32 s20  }
0x34: {  	p1 =	sne.s32 s20, $0x12000;
	s20 =	sadd.s32 $0x1000, s20;
	_ =	swait.ge [sflag:s16], $0x4000  }
0x35: {  	[sflag:s16] =	ssyncset.done $0x0  }
0x36: {  	s23 =	sadd.s32 $0xFFFFFF00, s21;
	[sflag:s16] =	ssyncadd.s32 $0xFFFFC000  }
0x37: {  	[tilespmem:s13], [sflag:$0x1] =	stream.indirect.gather [spmem:s1], $0x40, s23, s12, $0xb8;
	[tilespmem:$0xB7A0] =	vst v63  }
0x38: {  	_ =	swait.ge [sflag:s17], $0x4000  }
0x39: {  	[sflag:s17] =	ssyncset.done $0x0  }
0x3a: {  	s23 =	sadd.s32 s22, s8;
	[sflag:s17] =	ssyncadd.s32 $0xFFFFC000  }
0x3b: {  	[hbm4b:s23+s2] =	stream.linear.scatter [tilespmem:s14], [sflag:$0x4], $0x4000, $0x38;
	[tilespmem:$0xB7A0] =	vst v63  }
0x3c: {  	_ =	swait.ge [sflag:s18], $0x4000  }
0x3d: {  	[sflag:s18] =	ssyncset.done $0x0  }
.Ltmp0:
0x3e: {  	[sflag:s18] =	ssyncadd.s32 $0xFFFFC000;
	(pc) =	sbr.rel @p1 .LBB2_2-.Ltmp0, $4  }
0x3f: {  	[tilespmem:s14], [sflag:$0x2] =	stream.indirect.gather [spmem:s1], $0x40, s21, s12, $0xb8;
	[tilespmem:$0xB7A0] =	vst v63  }
0x40: {  	_ =	swait.ge [sflag:s15], $0x4000  }
0x41: {  	[sflag:s15] =	ssyncset.done $0x0  }
0x42: {  	s22 =	sadd.s32 s22, s9;
	s21 =	sadd.s32 $0x200, s21;
	[sflag:s15] =	ssyncadd.s32 $0xFFFFC000  }
0x43: {  	[hbm4b:s22+s2] =	stream.linear.scatter [tilespmem:s13], [sflag:$0x3], $0x4000, $0x38;
	[tilespmem:$0xB7A0] =	vst v63  }
0x44: {  	_ =	swait.ge [sflag:s17], $0x4000  }
0x45: {  	[sflag:s17] =	ssyncset.done $0x0  }
0x46: {  	s19 =	sadd.s32 $0x1, s19;
	[sflag:s17] =	ssyncadd.s32 $0xFFFFC000  }
0x47: {  	[hbm4b:s6+s2] =	stream.linear.scatter [tilespmem:s14], [sflag:$0x4], $0x4000, $0x38;
	[tilespmem:$0xB7A0] =	vst v63  }
0x48: {  	p1 =	sne.s32 s19, s7;
	_ =	swait.ge [sflag:s16], $0x4000  }
.Ltmp1:
0x49: {  	[sflag:s16] =	ssyncset.done $0x0;
	(pc) =	sbr.rel @p1 .LBB2_1-.Ltmp1, $4  }
0x4a: {  	[sflag:s16] =	ssyncadd.s32 $0xFFFFC000  }
0x4b: {  	_ =	swait.ge [sflag:s18], $0x4000  }
0x4c: {  	[sflag:s18] =	ssyncset.done $0x0  }
0x4d: {  	[sflag:s18] =	ssyncadd.s32 $0xFFFFC000  }
0x4e: {  	_ =	sfence.sel $0x180000  }
0x4f: {  	[bflag:$0x0] =	sbarrier.arrive $0xFFFF  }
0x50: {  	_ =	strace $0x9000004D  }
0x51: {  	s0 =	sadd.s32 @!p0 $0x100000, s0;
	[bflag:$0x2] =	sbarrier.arrive $0xFFFF  }
0x52: {  	[sflag:s0] =	ssyncadd.tile.s32 @!p0 $0x1;
	_ =	shalt  }
.Lfunc_end2:
_tile_overlayer_lowered:
.L_overlay_start_2:
0x53: {  	(tag) =	ssettag $0x2  }
0x54: {  	s0 =	rddreg [dreg:$0x0];
	s2 =	stileid.u32  }
0x55: {  	s1 =	rddreg [dreg:$0x1];
	p0 =	sne.s32 s2, $0x0  }
0x56: {  	s3 =	rddreg [dreg:$0x2];
	[bflag:$0x3] =	sbarrier.arrive $0xFFFF;
	s2 =	simm.s32 @!p0 $0x1C05  }
0x57: {  	[timem:s3], [sflag:s2] =	dma.local @!p0 [hbm:s0], s1  }
0x58: {  	s0 =	simm.s32 @!p0 $0x5  }
0x59: {  	_ =	swait.ge @!p0 [sflag:s0], s1  }
0x5a: {  	s1 =	ssub.s32 @!p0 $0x0, s1;
	[sflag:s0] =	ssyncset.done @!p0 $0x0  }
0x5b: {  	[sflag:s0] =	ssyncadd.s32 @!p0 s1  }
0x5c: {  	[bflag:$0x3] =	sbarrier.arrive $0xFFFF  }
0x5d: {  	_ =	shalt  }

// kernel: kernel.5.cloned.1.call-start
scs
__scs_entry_jumppad:
0x0: {  	(pc) =	sbr.rel $0x88, $3  }
0x1: {  	(tag) =	ssettag $0x0;
	lr =	simm.s32 $0x1  }
0x2: {  	[smem:$0x3F9B] =	sst lr;
	_ =	strace $0xD0000000  }
0x3: {  	_ = 	snop  }
0x4: {  	_ = 	snop  }
0x5: {  	_ = 	snop  }
0x6: {  	_ = 	snop  }
0x7: {  	_ = 	snop  }
__scs_overlays_trampoline_lowered:
0x8: {  	[smem:$0x3FAA] =	sst s0  }
0x9: {  	[smem:$0x3FAB] =	sst s1  }
0xa: {  	[smem:$0x3FAC] =	sst s2  }
0xb: {  	[smem:$0x3FAD] =	sst s3  }
0xc: {  	[smem:$0x3FAE] =	sst s4  }
0xd: {  	[smem:$0x3FAF] =	sst s5  }
0xe: {  	[smem:$0x3FB0] =	sst s6  }
0xf: {  	[smem:$0x3FB1] =	sst s7  }
0x10: {  	[smem:$0x3FB2] =	sst s8  }
0x11: {  	[smem:$0x3FB3] =	sst s9;
	s0 =	simm.s32 @!p0 $0x0  }
0x12: {  	s1 =	sld [smem:$0x3F99];
	s0 =	simm.s32 @p0 $0x1  }
0x13: {  	[smem:$0x3FB4] =	sst s0;
	s0 =	simm.s32 @!p1 $0x0  }
0x14: {  	s2 =	sld [smem:$0x3F98];
	s0 =	simm.s32 @p1 $0x1  }
0x15: {  	[smem:$0x3FB5] =	sst s0;
	s0 =	simm.s32 @!p2 $0x0  }
0x16: {  	s3 =	sld [smem:$0x3FDB];
	s0 =	simm.s32 @p2 $0x1  }
0x17: {  	s4 =	simm.s32 $0x1BF5;
	[smem:$0x3FB7] =	sst s0  }
0x18: {  	s0 =	sld [smem:$0x3F9A];
	_ =	swait.ge [sflag:s4], $0x0  }
0x19: {  	s7 =	sld [smem:$0x3F9B]  }
0x1a: {  	s8 =	sadd.s32 $0xFFFFE003, lr  }
0x1b: {  	s9 =	sadd.s32 $0xFFFFFEF7, lr;
	s5 =	simm.s32 $0xFFFFFFFF;
	p2 =	slt.u32 s8, $0xFFFFF086  }
0x1c: {  	p1 =	slt.u32 s9, $0xF7A;
	s5 =	simm.s32 @!p2 $0x0  }
0x1d: {  	s5 =	simm.s32 @p1 $0x1;
	p0 =	seq.s32 s7, s2  }
0x1e: {  	s7 =	smul.u32 @!p0 $0xF7A, s2;
	p2 =	seq.s32 @!p0 s5, $0x0  }
0x1f: {  	s9 =	smul.u32 $0xF7A, s1;
	s8 =	simm.s32 @!p0 $0x1BF5;
	p2 =	por !p2, p0  }
0x20: {  	[sflag:s8] =	ssyncset.s32 @!p0 $0xFFFFF086;
	s6 =	sadd.s32 @!p0 s3, s7;
	s7 =	simm.s32 @!p0 $0x108  }
0x21: {  	s3 =	sadd.s32 s3, s9;
	s6 =	sadd.s32 @!p0 $0x88, s6;
	s7 =	simm.s32 @p2 $0x1082  }
0x22: {  	[simem:s7], [sflag:s8] =	dma.local @!p0 [hbm:s6], $0xF7A  }
0x23: {  	s9 =	sor.u32 $0xD0000000, s2;
	s6 =	simm.s32 $0x108;
	_ =	swait.ge @!p0 [sflag:s8], $0x0  }
0x24: {  	s3 =	sadd.s32 $0x88, s3;
	s6 =	simm.s32 @!p1 $0x1082;
	[sflag:s4] =	ssyncset.s32 $0xFFFFF086  }
0x25: {  	[simem:s6], [sflag:s4] =	dma.local [hbm:s3], $0xF7A  }
0x26: {  	[smem:$0x3F9B] =	sst s1;
	(tag) =	ssettag s2;
	_ =	strace s9  }
0x27: {  	s1 =	sld [smem:$0x3FAB]  }
0x28: {  	s2 =	sld [smem:$0x3FAC]  }
0x29: {  	s4 =	sld [smem:$0x3FAE]  }
0x2a: {  	p0 =	seq.s32 s5, $0x0;
	s5 =	sld [smem:$0x3FAF]  }
0x2b: {  	s6 =	sld [smem:$0x3FB0]  }
0x2c: {  	s7 =	sld [smem:$0x3FB1]  }
0x2d: {  	s3 =	simm.s32 $0x108;
	s8 =	sld [smem:$0x3FB2]  }
0x2e: {  	s3 =	simm.s32 @!p0 $0x1082;
	s9 =	sld [smem:$0x3FB3]  }
0x2f: {  	lr =	sadd.s32 s0, s3;
	s0 =	sld [smem:$0x3FAA]  }
0x30: {  	s3 =	sld [smem:$0x3FAD]  }
0x31: {  	[smem:$0x3FB6] =	sst s10  }
0x32: {  	s10 =	sld [smem:$0x3FB4];
	_ =	sdelay $0x3  }
0x33: {  	p0 =	seq.s32 s10, $0x1;
	s10 =	sld [smem:$0x3FB6];
	_ =	sdelay $0x3  }
0x34: {  	[smem:$0x3FB6] =	sst s10  }
0x35: {  	s10 =	sld [smem:$0x3FB5];
	_ =	sdelay $0x3  }
0x36: {  	p1 =	seq.s32 s10, $0x1;
	s10 =	sld [smem:$0x3FB6];
	_ =	sdelay $0x3  }
0x37: {  	[smem:$0x3FB6] =	sst s10  }
0x38: {  	s10 =	sld [smem:$0x3FB7]  }
0x39: {  	_ = 	snop;
	(pc) =	sbr.ind lr, $3  }
0x3a: {  	_ = 	snop  }
0x3b: {  	_ = 	snop  }
0x3c: {  	p2 =	seq.s32 s10, $0x1;
	s10 =	sld [smem:$0x3FB6]  }
0x3d: {  	_ =	shalt  }
0x3e: {  	_ =	shalt  }
0x3f: {  	_ =	shalt  }
0x40: {  	_ =	shalt  }
0x41: {  	_ =	shalt  }
0x42: {  	_ =	shalt  }
0x43: {  	_ =	shalt  }
0x44: {  	_ =	shalt  }
0x45: {  	_ =	shalt  }
0x46: {  	_ =	shalt  }
0x47: {  	_ =	shalt  }
0x48: {  	_ =	shalt  }
0x49: {  	_ =	shalt  }
0x4a: {  	_ =	shalt  }
0x4b: {  	_ =	shalt  }
0x4c: {  	_ =	shalt  }
0x4d: {  	_ =	shalt  }
0x4e: {  	_ =	shalt  }
0x4f: {  	_ =	shalt  }
0x50: {  	_ =	shalt  }
0x51: {  	_ =	shalt  }
0x52: {  	_ =	shalt  }
0x53: {  	_ =	shalt  }
0x54: {  	_ =	shalt  }
0x55: {  	_ =	shalt  }
0x56: {  	_ =	shalt  }
0x57: {  	_ =	shalt  }
0x58: {  	_ =	shalt  }
0x59: {  	_ =	shalt  }
0x5a: {  	_ =	shalt  }
0x5b: {  	_ =	shalt  }
0x5c: {  	_ =	shalt  }
0x5d: {  	_ =	shalt  }
0x5e: {  	_ =	shalt  }
0x5f: {  	_ =	shalt  }
0x60: {  	_ =	shalt  }
0x61: {  	_ =	shalt  }
0x62: {  	_ =	shalt  }
0x63: {  	_ =	shalt  }
0x64: {  	_ =	shalt  }
0x65: {  	_ =	shalt  }
0x66: {  	_ =	shalt  }
0x67: {  	_ =	shalt  }
0x68: {  	_ =	shalt  }
0x69: {  	_ =	shalt  }
0x6a: {  	_ =	shalt  }
0x6b: {  	_ =	shalt  }
0x6c: {  	_ =	shalt  }
0x6d: {  	_ =	shalt  }
0x6e: {  	_ =	shalt  }
0x6f: {  	_ =	shalt  }
0x70: {  	_ =	shalt  }
0x71: {  	_ =	shalt  }
0x72: {  	_ =	shalt  }
0x73: {  	_ =	shalt  }
0x74: {  	_ =	shalt  }
0x75: {  	_ =	shalt  }
0x76: {  	_ =	shalt  }
0x77: {  	_ =	shalt  }
0x78: {  	_ =	shalt  }
0x79: {  	_ =	shalt  }
0x7a: {  	_ =	shalt  }
0x7b: {  	_ =	shalt  }
0x7c: {  	_ =	shalt  }
0x7d: {  	_ =	shalt  }
0x7e: {  	_ =	shalt  }
0x7f: {  	_ =	shalt  }
0x80: {  	_ =	shalt  }
0x81: {  	_ =	shalt  }
0x82: {  	_ =	shalt  }
0x83: {  	_ =	shalt  }
0x84: {  	_ =	shalt  }
0x85: {  	_ =	shalt  }
0x86: {  	_ =	shalt  }
0x87: {  	_ =	shalt  }
.Lfunc_end0:
.L_simem_size_0:
called_computation.3_lowered:
.L_overlay_start_0:
0x88: {  	s2 =	sld [smem:$0x3FD9]  }
0x89: {  	s3 =	sld [smem:$0x3FFE];
	_ =	sdelay $0x1  }
0x8a: {  	s1 =	srdreg.scid  }
0x8b: {  	s0 =	sand.u32 $0x1, s1  }
0x8c: {  	s14 =	sshll.u32 s0, $0xA;
	s2 =	sadd.s32 s3, s2  }
0x8d: {  	s2 =	sadd.s32 s2, s14  }
0x8e: {  	[smem:$0x3FC2] =	sst s2  }
0x8f: {  	_ = 	snop  }
0x90: {  	s2 =	sld [smem:$0x3FD0];
	_ =	sdelay $0x2  }
0x91: {  	s15 =	simm.s32 $0xC;
	s4 =	simm.s32 $0x10  }
0x92: {  	[smem:s4], [sflag:s15] =	dma.local [hbm:s2], $0x1  }
0x93: {  	_ =	swait.eq [sflag:s15], $0x1  }
0x94: {  	[sflag:s15] =	ssyncset.done $0x0  }
0x95: {  	[sflag:s15] =	ssyncadd.s32 $0xFFFFFFFF  }
0x96: {  	s16 =	sld [smem:$0x10];
	(tm) =	ssettm $0x1  }
0x97: {  	s17 =	sld [smem:$0x3FFB];
	_ =	sdelay $0x3  }
0x98: {  	_ =	strace s17  }
0x99: {  	s3 =	sld [smem:$0x3FFC];
	_ =	sdelay $0x3  }
0x9a: {  	_ =	strace s3  }
0x9b: {  	s3 =	sld [smem:$0x3FFD];
	_ =	sdelay $0x3  }
0x9c: {  	_ =	strace s3  }
0x9d: {  	_ =	strace $0x8FFFFFFF  }
0x9e: {  	s18 =	sld [smem:$0x3FDB];
	_ =	sdelay $0x1  }
0x9f: {  	s19 =	simm.s32 $_scs_section_size  }
0xa0: {  	s5 =	simm.s32 $_size__tile_overlayer_lowered;
	s6 =	simm.s32 $_tile_overlayer_lowered  }
0xa1: {  	s22 =	simm.s32 $0x1BFF;
	s21 =	sshll.u32 s6, $0x1;
	s3 =	sadd.s32 s19, s18  }
0xa2: {  	s7 =	simm.s32 $0x0;
	s20 =	sshll.u32 s5, $0x1;
	s5 =	sadd.s32 s21, s3  }
0xa3: {  	[timem:s7], [sflag:s22] =	dma.local [hbm:s5], s20  }
0xa4: {  	_ =	swait.ge [sflag:s22], s20  }
0xa5: {  	s4 =	ssub.s32 $0x0, s20;
	[sflag:s22] =	ssyncset.done $0x0  }
0xa6: {  	[sflag:s22] =	ssyncadd.s32 s4;
	_ =	sdelay $0x1  }
0xa7: {  	s23 =	simm.s32 $0x1B8B  }
0xa8: {  	_ =	swait.ge [sflag:s23], $0x1  }
0xa9: {  	[sflag:s23] =	ssyncset.done $0x0  }
0xaa: {  	s25 =	simm.s32 $0x1B8E;
	s24 =	sld [smem:$0x3FFE];
	[sflag:s23] =	ssyncadd.s32 $0xFFFFFFFF  }
0xab: {  	s26 =	simm.s32 $execute0_lowered;
	[smem:$0x3FD2] =	sst s25  }
0xac: {  	s5 =	sshll.u32 s26, $0x1;
	_ =	strace $0x80000046;
	[dreg:$0x1] =	wrdreg $0xFFFFFFFF  }
0xad: {  	s28 =	simm.s32 $_size_execute0_lowered;
	s3 =	sadd.s32 s3, s5;
	[dreg:$0x0] =	wrdreg $0x0  }
0xae: {  	s5 =	sshll.u32 s28, $0x1;
	[dreg:$0x2] =	wrdreg s3  }
0xaf: {  	[dreg:$0x3] =	wrdreg s5  }
0xb0: {  	[dreg:$0x4] =	wrdreg $0xC0  }
0xb1: {  	_ =	task [dreg:s7], $0x5FFFF  }
0xb2: {  	[dreg:$0x1] =	wrdreg $0xFFFFFFFF  }
0xb3: {  	[dreg:$0x0] =	wrdreg $0x60  }
0xb4: {  	[dreg:$0x2] =	wrdreg s24  }
0xb5: {  	[dreg:$0x3] =	wrdreg s16  }
0xb6: {  	[dreg:$0x4] =	wrdreg $0x9  }
0xb7: {  	_ =	task.clear_ibuf [dreg:s7], $0x5FFFF;
	_ =	strace $0x90000046  }
0xb8: {  	s29 =	simm.s32 $0x9;
	_ =	strace $0x80000048  }
0xb9: {  	_ =	swait.ge [sflag:s29], $0x1  }
0xba: {  	[sflag:s29] =	ssyncadd.s32 $0xFFFFFFFF  }
0xbb: {  	_ =	strace $0x90000048  }
0xbc: {  	_ =	sfence  }
0xbd: {  	s30 =	sld [smem:$0x0];
	_ =	sdelay $0x2  }
0xbe: {  	s31 =	sshll.u32 s1, $0xD;
	s1 =	sshrl.u32 s1, $0x2  }
0xbf: {  	s3 =	sand.u32 $0x4000, s31;
	s1 =	sadd.s32 s1, s30  }
0xc0: {  	s0 =	sor.u32 s3, s0;
	s1 =	sshll.u32 s1, $0x11  }
0xc1: {  	s0 =	sor.u32 s1, s0  }
0xc2: {  	s0 =	sadd.s32 $0x8F2B, s0  }
0xc3: {  	[sflag:s0] =	ssyncadd.remote.s32 $0x1  }
0xc4: {  	_ =	sfence.sel $0xFFFF  }
0xc5: {  	[dreg:$0x0] =	wrdreg $0xFFFFFFFF;
	(pc) =	sbr.abs _section_cstart, $3  }
0xc6: {  	[dreg:$0x1] =	wrdreg $0xFFFFFFFF  }
0xc7: {  	_ =	task.clear_ibuf [dreg:s7], $0x2FFFF;
	_ =	strace $0x9FFFFFFF  }
0xc8: {  	(tm) =	ssettm $0x7FFFFFFF  }
0xc9: {  	_ =	shalt  }
tec
execute0_lowered:
.L_overlay_start_1:
0x0: {  	(tag) =	ssettag $0x1  }
0x1: {  	s1 =	srdreg.scid  }
0x2: {  	s0 =	stileid.u32;
	s3 =	rddreg [dreg:$0x0]  }
0x3: {  	s7 =	rddreg [dreg:$0x1];
	s2 =	simm.s32 $0x0;
	s12 =	simm.s32 $0x2800  }
0x4: {  	s13 =	simm.s32 $0x6800;
	s14 =	simm.s32 $0x1;
	s15 =	simm.s32 $0x3  }
0x5: {  	s16 =	simm.s32 $0x2;
	s17 =	simm.s32 $0x4;
	s4 =	sand.u32 $0x1, s1  }
0x6: {  	s29 =	sshll.u32 s0, $0x1;
	s1 =	rddreg [dreg:$0x2];
	s10 =	smul.u32 $0x5000, s0  }
0x7: {  	s5 =	sor.u32 s4, s29;
	s9 =	ssub.s32 $0x2, s4;
	s4 =	smul.u32 $0x2800, s4  }
0x8: {  	s18 =	simm.s32 $0x0;
	[smem:$0x7FF] =	sst s2;
	s6 =	smul.u32 $0x2800, s5  }
0x9: {  	_ =	strace $0x80000047;
	s8 =	smul.u32 $0xA0000, s5;
	s11 =	sshrl.u32 s9, $0x1  }
0xa: {  	s5 =	smul.u32 $0x14000, s5;
	s9 =	ssub.s32 s9, s11;
	s10 =	sadd.s32 s4, s10  }
0xb: {  	s11 =	simm.s32 $0x100;
	s6 =	sshrl.u32 s6, $0x3;
	s8 =	sshrl.u32 s8, $0x3  }
0xc: {  	s31 =	sshll.u32 s10, $0x3;
	s5 =	sadd.s32 s7, s5;
	s6 =	sadd.s32 s6, s3  }
0xd: {  	s3 =	sadd.s32 $0xF44600, s3;
	s30 =	sadd.s32 s7, s8;
	s10 =	sadd.s32 s31, s7  }
0xe: {  	s7 =	smax.u32 s9, $0x1;
	s4 =	sadd.s32 $0x2200, s6;
	s6 =	sadd.s32 $0x13800, s30  }
0xf: {  	s8 =	sadd.s32 $0x800, s10;
	s9 =	sadd.s32 $0x1000, s10;
	s10 =	simm.s32 $0x5  }
.LBB2_1:
0x10: {  	[tilespmem:s2], [sflag:$0x5] =	stream.linear.gather [hbm4b:s4+s2], $0x2800, $0x38;
	[tilespmem:$0xA800] =	vst v63  }
0x11: {  	_ =	swait.ge [sflag:s10], $0x2800  }
0x12: {  	[sflag:s10] =	ssyncset.done $0x0  }
0x13: {  	[sflag:s10] =	ssyncadd.s32 $0xFFFFD800  }
0x14: {  	[tilespmem:s12], [sflag:$0x1] =	stream.indirect.gather [hbm4b:s3+s11], $0x40, s2, s11, $0xb8;
	[tilespmem:$0xA800] =	vst v63  }
0x15: {  	_ = 	snop  }
0x16: {  	[tilespmem:s13], [sflag:$0x2] =	stream.indirect.gather [hbm4b:s3+s11], $0x40, s11, s11, $0xb8;
	[tilespmem:$0xA800] =	vst v63  }
0x17: {  	_ =	swait.ge [sflag:s14], $0x4000  }
0x18: {  	[sflag:s14] =	ssyncset.done $0x0  }
0x19: {  	[sflag:s14] =	ssyncadd.s32 $0xFFFFC000  }
0x1a: {  	[hbm4b:s5+s2] =	stream.linear.scatter [tilespmem:s12], [sflag:$0x3], $0x4000, $0x38;
	[tilespmem:$0xA800] =	vst v63  }
0x1b: {  	_ =	swait.ge [sflag:s15], $0x4000  }
0x1c: {  	[sflag:s15] =	ssyncset.done $0x0  }
0x1d: {  	s19 =	simm.s32 $0x200;
	[sflag:s15] =	ssyncadd.s32 $0xFFFFC000  }
0x1e: {  	[tilespmem:s12], [sflag:$0x1] =	stream.indirect.gather [hbm4b:s3+s11], $0x40, s19, s11, $0xb8;
	[tilespmem:$0xA800] =	vst v63  }
0x1f: {  	_ =	swait.ge [sflag:s16], $0x4000  }
0x20: {  	[sflag:s16] =	ssyncset.done $0x0  }
0x21: {  	s30 =	sadd.s32 $0x0, s8;
	[sflag:s16] =	ssyncadd.s32 $0xFFFFC000  }
0x22: {  	[hbm4b:s30+s2] =	stream.linear.scatter [tilespmem:s13], [sflag:$0x4], $0x4000, $0x38;
	[tilespmem:$0xA800] =	vst v63  }
0x23: {  	_ =	swait.ge [sflag:s17], $0x4000  }
0x24: {  	[sflag:s17] =	ssyncset.done $0x0  }
0x25: {  	s31 =	simm.s32 $0x300;
	[sflag:s17] =	ssyncadd.s32 $0xFFFFC000  }
0x26: {  	[tilespmem:s13], [sflag:$0x2] =	stream.indirect.gather [hbm4b:s3+s11], $0x40, s31, s11, $0xb8;
	[tilespmem:$0xA800] =	vst v63  }
0x27: {  	_ =	swait.ge [sflag:s14], $0x4000  }
0x28: {  	s21 =	sadd.s32 $0x0, s9;
	[sflag:s14] =	ssyncset.done $0x0  }
0x29: {  	s20 =	simm.s32 $0x500;
	s19 =	simm.s32 $0x1000;
	[sflag:s14] =	ssyncadd.s32 $0xFFFFC000  }
.LBB2_2:
0x2a: {  	[hbm4b:s21+s2] =	stream.linear.scatter [tilespmem:s12], [sflag:$0x3], $0x4000, $0x38;
	[tilespmem:$0xA800] =	vst v63  }
0x2b: {  	s21 =	smov.u32 s19  }
0x2c: {  	p0 =	sne.s32 s19, $0x12000;
	s19 =	sadd.s32 $0x1000, s19;
	_ =	swait.ge [sflag:s15], $0x4000  }
0x2d: {  	[sflag:s15] =	ssyncset.done $0x0  }
0x2e: {  	s22 =	sadd.s32 $0xFFFFFF00, s20;
	[sflag:s15] =	ssyncadd.s32 $0xFFFFC000  }
0x2f: {  	[tilespmem:s12], [sflag:$0x1] =	stream.indirect.gather [hbm4b:s3+s11], $0x40, s22, s11, $0xb8;
	[tilespmem:$0xA800] =	vst v63  }
0x30: {  	_ =	swait.ge [sflag:s16], $0x4000  }
0x31: {  	[sflag:s16] =	ssyncset.done $0x0  }
0x32: {  	s22 =	sadd.s32 s21, s8;
	[sflag:s16] =	ssyncadd.s32 $0xFFFFC000  }
0x33: {  	[hbm4b:s22+s2] =	stream.linear.scatter [tilespmem:s13], [sflag:$0x4], $0x4000, $0x38;
	[tilespmem:$0xA800] =	vst v63  }
0x34: {  	_ =	swait.ge [sflag:s17], $0x4000  }
0x35: {  	[sflag:s17] =	ssyncset.done $0x0  }
.Ltmp0:
0x36: {  	[sflag:s17] =	ssyncadd.s32 $0xFFFFC000;
	(pc) =	sbr.rel @p0 .LBB2_2-.Ltmp0, $4  }
0x37: {  	[tilespmem:s13], [sflag:$0x2] =	stream.indirect.gather [hbm4b:s3+s11], $0x40, s20, s11, $0xb8;
	[tilespmem:$0xA800] =	vst v63  }
0x38: {  	_ =	swait.ge [sflag:s14], $0x4000  }
0x39: {  	[sflag:s14] =	ssyncset.done $0x0  }
0x3a: {  	s21 =	sadd.s32 s21, s9;
	s20 =	sadd.s32 $0x200, s20;
	[sflag:s14] =	ssyncadd.s32 $0xFFFFC000  }
0x3b: {  	[hbm4b:s21+s2] =	stream.linear.scatter [tilespmem:s12], [sflag:$0x3], $0x4000, $0x38;
	[tilespmem:$0xA800] =	vst v63  }
0x3c: {  	_ =	swait.ge [sflag:s16], $0x4000  }
0x3d: {  	[sflag:s16] =	ssyncset.done $0x0  }
0x3e: {  	s18 =	sadd.s32 $0x1, s18;
	[sflag:s16] =	ssyncadd.s32 $0xFFFFC000  }
0x3f: {  	[hbm4b:s6+s2] =	stream.linear.scatter [tilespmem:s13], [sflag:$0x4], $0x4000, $0x38;
	[tilespmem:$0xA800] =	vst v63  }
0x40: {  	p0 =	sne.s32 s18, s7;
	_ =	swait.ge [sflag:s15], $0x4000  }
.Ltmp1:
0x41: {  	[sflag:s15] =	ssyncset.done $0x0;
	(pc) =	sbr.rel @p0 .LBB2_1-.Ltmp1, $4  }
0x42: {  	[sflag:s15] =	ssyncadd.s32 $0xFFFFC000  }
0x43: {  	_ =	swait.ge [sflag:s17], $0x4000  }
0x44: {  	[sflag:s17] =	ssyncset.done $0x0  }
0x45: {  	[sflag:s17] =	ssyncadd.s32 $0xFFFFC000  }
0x46: {  	_ =	sfence.sel $0x180000  }
0x47: {  	[bflag:$0x0] =	sbarrier.arrive $0xFFFF  }
0x48: {  	p0 =	sne.s32 s0, $0x0;
	_ =	strace $0x90000047  }
0x49: {  	s0 =	sadd.s32 @!p0 $0x100000, s1;
	[bflag:$0x2] =	sbarrier.arrive $0xFFFF  }
0x4a: {  	[sflag:s0] =	ssyncadd.tile.s32 @!p0 $0x1;
	_ =	shalt  }
.Lfunc_end2:
_tile_overlayer_lowered:
.L_overlay_start_2:
0x4b: {  	(tag) =	ssettag $0x2  }
0x4c: {  	s0 =	rddreg [dreg:$0x0];
	s2 =	stileid.u32  }
0x4d: {  	s1 =	rddreg [dreg:$0x1];
	p0 =	sne.s32 s2, $0x0  }
0x4e: {  	s3 =	rddreg [dreg:$0x2];
	[bflag:$0x3] =	sbarrier.arrive $0xFFFF;
	s2 =	simm.s32 @!p0 $0x1C05  }
0x4f: {  	[timem:s3], [sflag:s2] =	dma.local @!p0 [hbm:s0], s1  }
0x50: {  	s0 =	simm.s32 @!p0 $0x5  }
0x51: {  	_ =	swait.ge @!p0 [sflag:s0], s1  }
0x52: {  	s1 =	ssub.s32 @!p0 $0x0, s1;
	[sflag:s0] =	ssyncset.done @!p0 $0x0  }
0x53: {  	[sflag:s0] =	ssyncadd.s32 @!p0 s1  }
0x54: {  	[bflag:$0x3] =	sbarrier.arrive $0xFFFF  }
0x55: {  	_ =	shalt  }

// kernel: kernel.8.cloned.1.call-start
scs
__scs_entry_jumppad:
0x0: {  	(pc) =	sbr.rel $0x88, $3  }
0x1: {  	(tag) =	ssettag $0x0;
	lr =	simm.s32 $0x1  }
0x2: {  	[smem:$0x3F9B] =	sst lr;
	_ =	strace $0xD0000000  }
0x3: {  	_ = 	snop  }
0x4: {  	_ = 	snop  }
0x5: {  	_ = 	snop  }
0x6: {  	_ = 	snop  }
0x7: {  	_ = 	snop  }
__scs_overlays_trampoline_lowered:
0x8: {  	[smem:$0x3FAA] =	sst s0  }
0x9: {  	[smem:$0x3FAB] =	sst s1  }
0xa: {  	[smem:$0x3FAC] =	sst s2  }
0xb: {  	[smem:$0x3FAD] =	sst s3  }
0xc: {  	[smem:$0x3FAE] =	sst s4  }
0xd: {  	[smem:$0x3FAF] =	sst s5  }
0xe: {  	[smem:$0x3FB0] =	sst s6  }
0xf: {  	[smem:$0x3FB1] =	sst s7  }
0x10: {  	[smem:$0x3FB2] =	sst s8  }
0x11: {  	[smem:$0x3FB3] =	sst s9;
	s0 =	simm.s32 @!p0 $0x0  }
0x12: {  	s1 =	sld [smem:$0x3F99];
	s0 =	simm.s32 @p0 $0x1  }
0x13: {  	[smem:$0x3FB4] =	sst s0;
	s0 =	simm.s32 @!p1 $0x0  }
0x14: {  	s2 =	sld [smem:$0x3F98];
	s0 =	simm.s32 @p1 $0x1  }
0x15: {  	[smem:$0x3FB5] =	sst s0;
	s0 =	simm.s32 @!p2 $0x0  }
0x16: {  	s3 =	sld [smem:$0x3FDB];
	s0 =	simm.s32 @p2 $0x1  }
0x17: {  	s4 =	simm.s32 $0x1BF5;
	[smem:$0x3FB7] =	sst s0  }
0x18: {  	s0 =	sld [smem:$0x3F9A];
	_ =	swait.ge [sflag:s4], $0x0  }
0x19: {  	s7 =	sld [smem:$0x3F9B]  }
0x1a: {  	s8 =	sadd.s32 $0xFFFFE003, lr  }
0x1b: {  	s9 =	sadd.s32 $0xFFFFFEF7, lr;
	s5 =	simm.s32 $0xFFFFFFFF;
	p2 =	slt.u32 s8, $0xFFFFF086  }
0x1c: {  	p1 =	slt.u32 s9, $0xF7A;
	s5 =	simm.s32 @!p2 $0x0  }
0x1d: {  	s5 =	simm.s32 @p1 $0x1;
	p0 =	seq.s32 s7, s2  }
0x1e: {  	s7 =	smul.u32 @!p0 $0xF7A, s2;
	p2 =	seq.s32 @!p0 s5, $0x0  }
0x1f: {  	s9 =	smul.u32 $0xF7A, s1;
	s8 =	simm.s32 @!p0 $0x1BF5;
	p2 =	por !p2, p0  }
0x20: {  	[sflag:s8] =	ssyncset.s32 @!p0 $0xFFFFF086;
	s6 =	sadd.s32 @!p0 s3, s7;
	s7 =	simm.s32 @!p0 $0x108  }
0x21: {  	s3 =	sadd.s32 s3, s9;
	s6 =	sadd.s32 @!p0 $0x88, s6;
	s7 =	simm.s32 @p2 $0x1082  }
0x22: {  	[simem:s7], [sflag:s8] =	dma.local @!p0 [hbm:s6], $0xF7A  }
0x23: {  	s9 =	sor.u32 $0xD0000000, s2;
	s6 =	simm.s32 $0x108;
	_ =	swait.ge @!p0 [sflag:s8], $0x0  }
0x24: {  	s3 =	sadd.s32 $0x88, s3;
	s6 =	simm.s32 @!p1 $0x1082;
	[sflag:s4] =	ssyncset.s32 $0xFFFFF086  }
0x25: {  	[simem:s6], [sflag:s4] =	dma.local [hbm:s3], $0xF7A  }
0x26: {  	[smem:$0x3F9B] =	sst s1;
	(tag) =	ssettag s2;
	_ =	strace s9  }
0x27: {  	s1 =	sld [smem:$0x3FAB]  }
0x28: {  	s2 =	sld [smem:$0x3FAC]  }
0x29: {  	s4 =	sld [smem:$0x3FAE]  }
0x2a: {  	p0 =	seq.s32 s5, $0x0;
	s5 =	sld [smem:$0x3FAF]  }
0x2b: {  	s6 =	sld [smem:$0x3FB0]  }
0x2c: {  	s7 =	sld [smem:$0x3FB1]  }
0x2d: {  	s3 =	simm.s32 $0x108;
	s8 =	sld [smem:$0x3FB2]  }
0x2e: {  	s3 =	simm.s32 @!p0 $0x1082;
	s9 =	sld [smem:$0x3FB3]  }
0x2f: {  	lr =	sadd.s32 s0, s3;
	s0 =	sld [smem:$0x3FAA]  }
0x30: {  	s3 =	sld [smem:$0x3FAD]  }
0x31: {  	[smem:$0x3FB6] =	sst s10  }
0x32: {  	s10 =	sld [smem:$0x3FB4];
	_ =	sdelay $0x3  }
0x33: {  	p0 =	seq.s32 s10, $0x1;
	s10 =	sld [smem:$0x3FB6];
	_ =	sdelay $0x3  }
0x34: {  	[smem:$0x3FB6] =	sst s10  }
0x35: {  	s10 =	sld [smem:$0x3FB5];
	_ =	sdelay $0x3  }
0x36: {  	p1 =	seq.s32 s10, $0x1;
	s10 =	sld [smem:$0x3FB6];
	_ =	sdelay $0x3  }
0x37: {  	[smem:$0x3FB6] =	sst s10  }
0x38: {  	s10 =	sld [smem:$0x3FB7]  }
0x39: {  	_ = 	snop;
	(pc) =	sbr.ind lr, $3  }
0x3a: {  	_ = 	snop  }
0x3b: {  	_ = 	snop  }
0x3c: {  	p2 =	seq.s32 s10, $0x1;
	s10 =	sld [smem:$0x3FB6]  }
0x3d: {  	_ =	shalt  }
0x3e: {  	_ =	shalt  }
0x3f: {  	_ =	shalt  }
0x40: {  	_ =	shalt  }
0x41: {  	_ =	shalt  }
0x42: {  	_ =	shalt  }
0x43: {  	_ =	shalt  }
0x44: {  	_ =	shalt  }
0x45: {  	_ =	shalt  }
0x46: {  	_ =	shalt  }
0x47: {  	_ =	shalt  }
0x48: {  	_ =	shalt  }
0x49: {  	_ =	shalt  }
0x4a: {  	_ =	shalt  }
0x4b: {  	_ =	shalt  }
0x4c: {  	_ =	shalt  }
0x4d: {  	_ =	shalt  }
0x4e: {  	_ =	shalt  }
0x4f: {  	_ =	shalt  }
0x50: {  	_ =	shalt  }
0x51: {  	_ =	shalt  }
0x52: {  	_ =	shalt  }
0x53: {  	_ =	shalt  }
0x54: {  	_ =	shalt  }
0x55: {  	_ =	shalt  }
0x56: {  	_ =	shalt  }
0x57: {  	_ =	shalt  }
0x58: {  	_ =	shalt  }
0x59: {  	_ =	shalt  }
0x5a: {  	_ =	shalt  }
0x5b: {  	_ =	shalt  }
0x5c: {  	_ =	shalt  }
0x5d: {  	_ =	shalt  }
0x5e: {  	_ =	shalt  }
0x5f: {  	_ =	shalt  }
0x60: {  	_ =	shalt  }
0x61: {  	_ =	shalt  }
0x62: {  	_ =	shalt  }
0x63: {  	_ =	shalt  }
0x64: {  	_ =	shalt  }
0x65: {  	_ =	shalt  }
0x66: {  	_ =	shalt  }
0x67: {  	_ =	shalt  }
0x68: {  	_ =	shalt  }
0x69: {  	_ =	shalt  }
0x6a: {  	_ =	shalt  }
0x6b: {  	_ =	shalt  }
0x6c: {  	_ =	shalt  }
0x6d: {  	_ =	shalt  }
0x6e: {  	_ =	shalt  }
0x6f: {  	_ =	shalt  }
0x70: {  	_ =	shalt  }
0x71: {  	_ =	shalt  }
0x72: {  	_ =	shalt  }
0x73: {  	_ =	shalt  }
0x74: {  	_ =	shalt  }
0x75: {  	_ =	shalt  }
0x76: {  	_ =	shalt  }
0x77: {  	_ =	shalt  }
0x78: {  	_ =	shalt  }
0x79: {  	_ =	shalt  }
0x7a: {  	_ =	shalt  }
0x7b: {  	_ =	shalt  }
0x7c: {  	_ =	shalt  }
0x7d: {  	_ =	shalt  }
0x7e: {  	_ =	shalt  }
0x7f: {  	_ =	shalt  }
0x80: {  	_ =	shalt  }
0x81: {  	_ =	shalt  }
0x82: {  	_ =	shalt  }
0x83: {  	_ =	shalt  }
0x84: {  	_ =	shalt  }
0x85: {  	_ =	shalt  }
0x86: {  	_ =	shalt  }
0x87: {  	_ =	shalt  }
.Lfunc_end0:
.L_simem_size_0:
called_computation.4_lowered:
.L_overlay_start_0:
0x88: {  	s2 =	sld [smem:$0x3FD9]  }
0x89: {  	s3 =	sld [smem:$0x3FFE];
	_ =	sdelay $0x1  }
0x8a: {  	s1 =	srdreg.scid  }
0x8b: {  	s0 =	sand.u32 $0x1, s1  }
0x8c: {  	s15 =	sshll.u32 s0, $0xA;
	s2 =	sadd.s32 s3, s2  }
0x8d: {  	s2 =	sadd.s32 s2, s15  }
0x8e: {  	[smem:$0x3FC2] =	sst s2  }
0x8f: {  	_ = 	snop  }
0x90: {  	s2 =	sld [smem:$0x3FD0];
	_ =	sdelay $0x2  }
0x91: {  	s16 =	simm.s32 $0xC;
	s4 =	simm.s32 $0x10  }
0x92: {  	[smem:s4], [sflag:s16] =	dma.local [hbm:s2], $0x1  }
0x93: {  	_ =	swait.eq [sflag:s16], $0x1  }
0x94: {  	[sflag:s16] =	ssyncset.done $0x0  }
0x95: {  	[sflag:s16] =	ssyncadd.s32 $0xFFFFFFFF  }
0x96: {  	s17 =	sld [smem:$0x11];
	(tm) =	ssettm $0x1  }
0x97: {  	s18 =	sld [smem:$0x3FFB];
	_ =	sdelay $0x3  }
0x98: {  	_ =	strace s18  }
0x99: {  	s2 =	sld [smem:$0x3FFC];
	_ =	sdelay $0x3  }
0x9a: {  	_ =	strace s2  }
0x9b: {  	s2 =	sld [smem:$0x3FFD];
	_ =	sdelay $0x3  }
0x9c: {  	_ =	strace s2  }
0x9d: {  	_ =	strace $0x8FFFFFFF  }
0x9e: {  	s19 =	sld [smem:$0x3FDB];
	_ =	sdelay $0x1  }
0x9f: {  	s20 =	simm.s32 $_scs_section_size  }
0xa0: {  	s5 =	simm.s32 $_size__tile_overlayer_lowered;
	s6 =	simm.s32 $_tile_overlayer_lowered  }
0xa1: {  	s7 =	simm.s32 $0x1BFF;
	s21 =	sshll.u32 s6, $0x1;
	s4 =	sadd.s32 s20, s19  }
0xa2: {  	s22 =	simm.s32 $0x0;
	s5 =	sshll.u32 s5, $0x1;
	s6 =	sadd.s32 s21, s4  }
0xa3: {  	[timem:s22], [sflag:s7] =	dma.local [hbm:s6], s5  }
0xa4: {  	_ =	swait.ge [sflag:s7], s5  }
0xa5: {  	s5 =	ssub.s32 $0x0, s5;
	[sflag:s7] =	ssyncset.done $0x0  }
0xa6: {  	[sflag:s7] =	ssyncadd.s32 s5;
	_ =	sdelay $0x1  }
0xa7: {  	s23 =	simm.s32 $0x1B8B  }
0xa8: {  	_ =	swait.ge [sflag:s23], $0x1  }
0xa9: {  	[sflag:s23] =	ssyncset.done $0x0  }
0xaa: {  	[sflag:s23] =	ssyncadd.s32 $0xFFFFFFFF  }
0xab: {  	s5 =	sld [smem:$0x0]  }
0xac: {  	s6 =	sand.u32 $0xFFFFFFFE, s1  }
0xad: {  	p0 =	sne.s32 s1, s6  }
0xae: {  	s6 =	sshll.u32 @p0 s6, $0xE  }
0xaf: {  	s6 =	sadd.s32 @p0 $0x11B8D, s6;
	s7 =	sshll.u32 @p0 s5, $0x11  }
0xb0: {  	s6 =	sor.u32 @p0 s7, s6  }
0xb1: {  	[sflag:s6] =	ssyncadd.remote.s32 @p0 $0x1;
	_ =	sdelay $0x1  }
0xb2: {  	s6 =	simm.s32 @p0 $0x1B8D  }
0xb3: {  	_ =	swait.eq @p0 [sflag:s6], $0x1  }
0xb4: {  	[sflag:s6] =	ssyncadd.s32 @p0 $0xFFFFFFFF  }
0xb5: {  	s7 =	sshll.u32 @!p0 s1, $0xE  }
0xb6: {  	s7 =	sor.u32 @!p0 $0x4000, s7;
	s6 =	simm.s32 @!p0 $0x1B8D  }
0xb7: {  	s5 =	sshll.u32 @!p0 s5, $0x11;
	s7 =	sadd.s32 @!p0 $0x11B8D, s7;
	_ =	swait.eq @!p0 [sflag:s6], $0x1  }
0xb8: {  	s5 =	sor.u32 @!p0 s5, s7;
	[sflag:s6] =	ssyncadd.s32 @!p0 $0xFFFFFFFF  }
0xb9: {  	s25 =	simm.s32 $0x1B8E;
	s24 =	sld [smem:$0x3FFE];
	[sflag:s5] =	ssyncadd.remote.s32 @!p0 $0x1  }
0xba: {  	s26 =	simm.s32 $execute0_lowered;
	[smem:$0x3FD2] =	sst s25  }
0xbb: {  	s6 =	sshll.u32 s26, $0x1;
	_ =	strace $0x80000049;
	[dreg:$0x1] =	wrdreg $0xFFFFFFFF  }
0xbc: {  	s28 =	simm.s32 $_size_execute0_lowered;
	s4 =	sadd.s32 s4, s6;
	[dreg:$0x0] =	wrdreg $0x0  }
0xbd: {  	s6 =	sshll.u32 s28, $0x1;
	[dreg:$0x2] =	wrdreg s4  }
0xbe: {  	[dreg:$0x3] =	wrdreg s6  }
0xbf: {  	[dreg:$0x4] =	wrdreg $0xC0  }
0xc0: {  	_ =	task [dreg:s22], $0x5FFFF  }
0xc1: {  	[dreg:$0x1] =	wrdreg $0xFFFFFFFF  }
0xc2: {  	[dreg:$0x0] =	wrdreg $0x60  }
0xc3: {  	[dreg:$0x2] =	wrdreg s24  }
0xc4: {  	[dreg:$0x3] =	wrdreg s17  }
0xc5: {  	[dreg:$0x4] =	wrdreg $0xB  }
0xc6: {  	_ =	task.clear_ibuf [dreg:s22], $0x5FFFF;
	_ =	strace $0x90000049  }
0xc7: {  	s29 =	simm.s32 $0xB;
	_ =	strace $0x8000004B  }
0xc8: {  	_ =	swait.ge [sflag:s29], $0x1  }
0xc9: {  	[sflag:s29] =	ssyncadd.s32 $0xFFFFFFFF  }
0xca: {  	_ =	strace $0x9000004B  }
0xcb: {  	_ =	sfence  }
0xcc: {  	s30 =	sld [smem:$0x0];
	_ =	sdelay $0x2  }
0xcd: {  	s31 =	sshll.u32 s1, $0xD;
	s1 =	sshrl.u32 s1, $0x2  }
0xce: {  	s4 =	sand.u32 $0x4000, s31;
	s1 =	sadd.s32 s1, s30  }
0xcf: {  	s0 =	sor.u32 s4, s0;
	s1 =	sshll.u32 s1, $0x11  }
0xd0: {  	s0 =	sor.u32 s1, s0  }
0xd1: {  	s0 =	sadd.s32 $0x8F2B, s0  }
0xd2: {  	[sflag:s0] =	ssyncadd.remote.s32 $0x1  }
0xd3: {  	_ =	sfence.sel $0xFFFF  }
0xd4: {  	[dreg:$0x0] =	wrdreg $0xFFFFFFFF;
	(pc) =	sbr.abs _section_cstart, $3  }
0xd5: {  	[dreg:$0x1] =	wrdreg $0xFFFFFFFF  }
0xd6: {  	_ =	task.clear_ibuf [dreg:s22], $0x2FFFF;
	_ =	strace $0x9FFFFFFF  }
0xd7: {  	(tm) =	ssettm $0x7FFFFFFF  }
tec
execute0_lowered:
.L_overlay_start_1:
0x0: {  	(tag) =	ssettag $0x1  }
0x1: {  	s1 =	srdreg.scid  }
0x2: {  	s0 =	stileid.u32;
	s3 =	rddreg [dreg:$0x0]  }
0x3: {  	s7 =	rddreg [dreg:$0x1];
	s2 =	simm.s32 $0x0;
	s12 =	simm.s32 $0x2800  }
0x4: {  	s13 =	simm.s32 $0x6800;
	s14 =	simm.s32 $0x1;
	s15 =	simm.s32 $0x3  }
0x5: {  	s16 =	simm.s32 $0x2;
	s17 =	simm.s32 $0x4;
	s4 =	sand.u32 $0x1, s1  }
0x6: {  	s29 =	sshll.u32 s0, $0x1;
	s1 =	rddreg [dreg:$0x2];
	s10 =	smul.u32 $0x5000, s0  }
0x7: {  	s5 =	sor.u32 s4, s29;
	s9 =	ssub.s32 $0x2, s4;
	s4 =	smul.u32 $0x2800, s4  }
0x8: {  	s18 =	simm.s32 $0x0;
	[smem:$0x7FF] =	sst s2;
	s6 =	smul.u32 $0x2800, s5  }
0x9: {  	_ =	strace $0x8000004A;
	s8 =	smul.u32 $0xA0000, s5;
	s11 =	sshrl.u32 s9, $0x1  }
0xa: {  	s5 =	smul.u32 $0x14000, s5;
	s9 =	ssub.s32 s9, s11;
	s10 =	sadd.s32 s4, s10  }
0xb: {  	s11 =	simm.s32 $0x100;
	s6 =	sshrl.u32 s6, $0x3;
	s8 =	sshrl.u32 s8, $0x3  }
0xc: {  	s31 =	sshll.u32 s10, $0x3;
	s5 =	sadd.s32 s7, s5;
	s6 =	sadd.s32 s6, s3  }
0xd: {  	s3 =	sadd.s32 $0xC200, s3;
	s30 =	sadd.s32 s7, s8;
	s10 =	sadd.s32 s31, s7  }
0xe: {  	s7 =	smax.u32 s9, $0x1;
	s4 =	sadd.s32 $0xCF800, s6;
	s6 =	sadd.s32 $0x13800, s30  }
0xf: {  	s8 =	sadd.s32 $0x800, s10;
	s9 =	sadd.s32 $0x1000, s10;
	s10 =	simm.s32 $0x5  }
.LBB2_1:
0x10: {  	[tilespmem:s2], [sflag:$0x5] =	stream.linear.gather [hbm4b:s4+s2], $0x2800, $0x38;
	[tilespmem:$0xA800] =	vst v63  }
0x11: {  	_ =	swait.ge [sflag:s10], $0x2800  }
0x12: {  	[sflag:s10] =	ssyncset.done $0x0  }
0x13: {  	[sflag:s10] =	ssyncadd.s32 $0xFFFFD800  }
0x14: {  	[tilespmem:s12], [sflag:$0x1] =	stream.indirect.gather [hbm4b:s3+s11], $0x40, s2, s11, $0xb8;
	[tilespmem:$0xA800] =	vst v63  }
0x15: {  	_ = 	snop  }
0x16: {  	[tilespmem:s13], [sflag:$0x2] =	stream.indirect.gather [hbm4b:s3+s11], $0x40, s11, s11, $0xb8;
	[tilespmem:$0xA800] =	vst v63  }
0x17: {  	_ =	swait.ge [sflag:s14], $0x4000  }
0x18: {  	[sflag:s14] =	ssyncset.done $0x0  }
0x19: {  	[sflag:s14] =	ssyncadd.s32 $0xFFFFC000  }
0x1a: {  	[hbm4b:s5+s2] =	stream.linear.scatter [tilespmem:s12], [sflag:$0x3], $0x4000, $0x38;
	[tilespmem:$0xA800] =	vst v63  }
0x1b: {  	_ =	swait.ge [sflag:s15], $0x4000  }
0x1c: {  	[sflag:s15] =	ssyncset.done $0x0  }
0x1d: {  	s19 =	simm.s32 $0x200;
	[sflag:s15] =	ssyncadd.s32 $0xFFFFC000  }
0x1e: {  	[tilespmem:s12], [sflag:$0x1] =	stream.indirect.gather [hbm4b:s3+s11], $0x40, s19, s11, $0xb8;
	[tilespmem:$0xA800] =	vst v63  }
0x1f: {  	_ =	swait.ge [sflag:s16], $0x4000  }
0x20: {  	[sflag:s16] =	ssyncset.done $0x0  }
0x21: {  	s30 =	sadd.s32 $0x0, s8;
	[sflag:s16] =	ssyncadd.s32 $0xFFFFC000  }
0x22: {  	[hbm4b:s30+s2] =	stream.linear.scatter [tilespmem:s13], [sflag:$0x4], $0x4000, $0x38;
	[tilespmem:$0xA800] =	vst v63  }
0x23: {  	_ =	swait.ge [sflag:s17], $0x4000  }
0x24: {  	[sflag:s17] =	ssyncset.done $0x0  }
0x25: {  	s31 =	simm.s32 $0x300;
	[sflag:s17] =	ssyncadd.s32 $0xFFFFC000  }
0x26: {  	[tilespmem:s13], [sflag:$0x2] =	stream.indirect.gather [hbm4b:s3+s11], $0x40, s31, s11, $0xb8;
	[tilespmem:$0xA800] =	vst v63  }
0x27: {  	_ =	swait.ge [sflag:s14], $0x4000  }
0x28: {  	s21 =	sadd.s32 $0x0, s9;
	[sflag:s14] =	ssyncset.done $0x0  }
0x29: {  	s20 =	simm.s32 $0x500;
	s19 =	simm.s32 $0x1000;
	[sflag:s14] =	ssyncadd.s32 $0xFFFFC000  }
.LBB2_2:
0x2a: {  	[hbm4b:s21+s2] =	stream.linear.scatter [tilespmem:s12], [sflag:$0x3], $0x4000, $0x38;
	[tilespmem:$0xA800] =	vst v63  }
0x2b: {  	s21 =	smov.u32 s19  }
0x2c: {  	p0 =	sne.s32 s19, $0x12000;
	s19 =	sadd.s32 $0x1000, s19;
	_ =	swait.ge [sflag:s15], $0x4000  }
0x2d: {  	[sflag:s15] =	ssyncset.done $0x0  }
0x2e: {  	s22 =	sadd.s32 $0xFFFFFF00, s20;
	[sflag:s15] =	ssyncadd.s32 $0xFFFFC000  }
0x2f: {  	[tilespmem:s12], [sflag:$0x1] =	stream.indirect.gather [hbm4b:s3+s11], $0x40, s22, s11, $0xb8;
	[tilespmem:$0xA800] =	vst v63  }
0x30: {  	_ =	swait.ge [sflag:s16], $0x4000  }
0x31: {  	[sflag:s16] =	ssyncset.done $0x0  }
0x32: {  	s22 =	sadd.s32 s21, s8;
	[sflag:s16] =	ssyncadd.s32 $0xFFFFC000  }
0x33: {  	[hbm4b:s22+s2] =	stream.linear.scatter [tilespmem:s13], [sflag:$0x4], $0x4000, $0x38;
	[tilespmem:$0xA800] =	vst v63  }
0x34: {  	_ =	swait.ge [sflag:s17], $0x4000  }
0x35: {  	[sflag:s17] =	ssyncset.done $0x0  }
.Ltmp0:
0x36: {  	[sflag:s17] =	ssyncadd.s32 $0xFFFFC000;
	(pc) =	sbr.rel @p0 .LBB2_2-.Ltmp0, $4  }
0x37: {  	[tilespmem:s13], [sflag:$0x2] =	stream.indirect.gather [hbm4b:s3+s11], $0x40, s20, s11, $0xb8;
	[tilespmem:$0xA800] =	vst v63  }
0x38: {  	_ =	swait.ge [sflag:s14], $0x4000  }
0x39: {  	[sflag:s14] =	ssyncset.done $0x0  }
0x3a: {  	s21 =	sadd.s32 s21, s9;
	s20 =	sadd.s32 $0x200, s20;
	[sflag:s14] =	ssyncadd.s32 $0xFFFFC000  }
0x3b: {  	[hbm4b:s21+s2] =	stream.linear.scatter [tilespmem:s12], [sflag:$0x3], $0x4000, $0x38;
	[tilespmem:$0xA800] =	vst v63  }
0x3c: {  	_ =	swait.ge [sflag:s16], $0x4000  }
0x3d: {  	[sflag:s16] =	ssyncset.done $0x0  }
0x3e: {  	s18 =	sadd.s32 $0x1, s18;
	[sflag:s16] =	ssyncadd.s32 $0xFFFFC000  }
0x3f: {  	[hbm4b:s6+s2] =	stream.linear.scatter [tilespmem:s13], [sflag:$0x4], $0x4000, $0x38;
	[tilespmem:$0xA800] =	vst v63  }
0x40: {  	p0 =	sne.s32 s18, s7;
	_ =	swait.ge [sflag:s15], $0x4000  }
.Ltmp1:
0x41: {  	[sflag:s15] =	ssyncset.done $0x0;
	(pc) =	sbr.rel @p0 .LBB2_1-.Ltmp1, $4  }
0x42: {  	[sflag:s15] =	ssyncadd.s32 $0xFFFFC000  }
0x43: {  	_ =	swait.ge [sflag:s17], $0x4000  }
0x44: {  	[sflag:s17] =	ssyncset.done $0x0  }
0x45: {  	[sflag:s17] =	ssyncadd.s32 $0xFFFFC000  }
0x46: {  	_ =	sfence.sel $0x180000  }
0x47: {  	[bflag:$0x0] =	sbarrier.arrive $0xFFFF  }
0x48: {  	p0 =	sne.s32 s0, $0x0;
	_ =	strace $0x9000004A  }
0x49: {  	s0 =	sadd.s32 @!p0 $0x100000, s1;
	[bflag:$0x2] =	sbarrier.arrive $0xFFFF  }
0x4a: {  	[sflag:s0] =	ssyncadd.tile.s32 @!p0 $0x1;
	_ =	shalt  }
.Lfunc_end2:
_tile_overlayer_lowered:
.L_overlay_start_2:
0x4b: {  	(tag) =	ssettag $0x2  }
0x4c: {  	s0 =	rddreg [dreg:$0x0];
	s2 =	stileid.u32  }
0x4d: {  	s1 =	rddreg [dreg:$0x1];
	p0 =	sne.s32 s2, $0x0  }
0x4e: {  	s3 =	rddreg [dreg:$0x2];
	[bflag:$0x3] =	sbarrier.arrive $0xFFFF;
	s2 =	simm.s32 @!p0 $0x1C05  }
0x4f: {  	[timem:s3], [sflag:s2] =	dma.local @!p0 [hbm:s0], s1  }
0x50: {  	s0 =	simm.s32 @!p0 $0x5  }
0x51: {  	_ =	swait.ge @!p0 [sflag:s0], s1  }
0x52: {  	s1 =	ssub.s32 @!p0 $0x0, s1;
	[sflag:s0] =	ssyncset.done @!p0 $0x0  }
0x53: {  	[sflag:s0] =	ssyncadd.s32 @!p0 s1  }
0x54: {  	[bflag:$0x3] =	sbarrier.arrive $0xFFFF  }
0x55: {  	_ =	shalt  }

// kernel: sparse-core-data-format-call.1.cloned.1.call-start
scs
called_computation.1_lowered:
.L_overlay_start_0:
0x0: {  	s2 =	sld [smem:$0x3FD9]  }
0x1: {  	s3 =	sld [smem:$0x3FFE];
	_ =	sdelay $0x1  }
0x2: {  	s1 =	srdreg.scid  }
0x3: {  	s0 =	sand.u32 $0x1, s1  }
0x4: {  	s16 =	sshll.u32 s0, $0xA;
	s2 =	sadd.s32 s3, s2  }
0x5: {  	s2 =	sadd.s32 s2, s16  }
0x6: {  	[smem:$0x3FC2] =	sst s2  }
0x7: {  	_ = 	snop  }
0x8: {  	s2 =	sld [smem:$0x3FD0];
	_ =	sdelay $0x2  }
0x9: {  	s17 =	simm.s32 $0xC;
	s4 =	simm.s32 $0x10  }
0xa: {  	[smem:s4], [sflag:s17] =	dma.local [hbm:s2], $0x1  }
0xb: {  	_ =	swait.eq [sflag:s17], $0x1  }
0xc: {  	[sflag:s17] =	ssyncset.done $0x0  }
0xd: {  	[sflag:s17] =	ssyncadd.s32 $0xFFFFFFFF  }
0xe: {  	s18 =	sld [smem:$0x11];
	(tm) =	ssettm $0x1  }
0xf: {  	s19 =	sld [smem:$0x3FFB];
	_ =	sdelay $0x3  }
0x10: {  	_ =	strace s19  }
0x11: {  	s2 =	sld [smem:$0x3FFC];
	_ =	sdelay $0x3  }
0x12: {  	_ =	strace s2  }
0x13: {  	s2 =	sld [smem:$0x3FFD];
	_ =	sdelay $0x3  }
0x14: {  	_ =	strace s2  }
0x15: {  	_ =	strace $0x8FFFFFFF  }
0x16: {  	s20 =	sld [smem:$0x3FDB];
	_ =	sdelay $0x1  }
0x17: {  	s21 =	simm.s32 $_scs_section_size  }
0x18: {  	s5 =	simm.s32 $_size__tile_overlayer_lowered;
	s6 =	simm.s32 $_tile_overlayer_lowered  }
0x19: {  	s7 =	simm.s32 $0x1BFF;
	s22 =	sshll.u32 s6, $0x1;
	s4 =	sadd.s32 s21, s20  }
0x1a: {  	s23 =	simm.s32 $0x0;
	s5 =	sshll.u32 s5, $0x1;
	s6 =	sadd.s32 s22, s4  }
0x1b: {  	[timem:s23], [sflag:s7] =	dma.local [hbm:s6], s5  }
0x1c: {  	_ =	swait.ge [sflag:s7], s5  }
0x1d: {  	s5 =	ssub.s32 $0x0, s5;
	[sflag:s7] =	ssyncset.done $0x0  }
0x1e: {  	[sflag:s7] =	ssyncadd.s32 s5;
	_ =	sdelay $0x1  }
0x1f: {  	s24 =	simm.s32 $0x1B8B  }
0x20: {  	_ =	swait.ge [sflag:s24], $0x1  }
0x21: {  	[sflag:s24] =	ssyncset.done $0x0  }
0x22: {  	[sflag:s24] =	ssyncadd.s32 $0xFFFFFFFF  }
0x23: {  	s5 =	sld [smem:$0x0]  }
0x24: {  	s6 =	sand.u32 $0xFFFFFFFE, s1  }
0x25: {  	p0 =	sne.s32 s1, s6  }
0x26: {  	s6 =	sshll.u32 @p0 s6, $0xE  }
0x27: {  	s6 =	sadd.s32 @p0 $0x11B8D, s6;
	s7 =	sshll.u32 @p0 s5, $0x11  }
0x28: {  	s6 =	sor.u32 @p0 s7, s6  }
0x29: {  	[sflag:s6] =	ssyncadd.remote.s32 @p0 $0x1;
	_ =	sdelay $0x1  }
0x2a: {  	s6 =	simm.s32 @p0 $0x1B8D  }
0x2b: {  	_ =	swait.eq @p0 [sflag:s6], $0x1  }
0x2c: {  	[sflag:s6] =	ssyncadd.s32 @p0 $0xFFFFFFFF  }
0x2d: {  	s7 =	sshll.u32 @!p0 s1, $0xE  }
0x2e: {  	s7 =	sor.u32 @!p0 $0x4000, s7;
	s6 =	simm.s32 @!p0 $0x1B8D  }
0x2f: {  	s5 =	sshll.u32 @!p0 s5, $0x11;
	s7 =	sadd.s32 @!p0 $0x11B8D, s7;
	_ =	swait.eq @!p0 [sflag:s6], $0x1  }
0x30: {  	s5 =	sor.u32 @!p0 s5, s7;
	[sflag:s6] =	ssyncadd.s32 @!p0 $0xFFFFFFFF  }
0x31: {  	s26 =	simm.s32 $0x1B8E;
	s25 =	sld [smem:$0x3FFE];
	[sflag:s5] =	ssyncadd.remote.s32 @!p0 $0x1  }
0x32: {  	s27 =	simm.s32 $execute0_lowered;
	[smem:$0x3FD2] =	sst s26  }
0x33: {  	s6 =	sshll.u32 s27, $0x1;
	_ =	strace $0x80000052;
	[dreg:$0x1] =	wrdreg $0xFFFFFFFF  }
0x34: {  	s28 =	simm.s32 $_size_execute0_lowered;
	s4 =	sadd.s32 s4, s6;
	[dreg:$0x0] =	wrdreg $0x0  }
0x35: {  	s6 =	sshll.u32 s28, $0x1;
	[dreg:$0x2] =	wrdreg s4  }
0x36: {  	[dreg:$0x3] =	wrdreg s6  }
0x37: {  	[dreg:$0x4] =	wrdreg $0xC0  }
0x38: {  	_ =	task [dreg:s23], $0x5FFFF  }
0x39: {  	[dreg:$0x1] =	wrdreg $0xFFFFFFFF  }
0x3a: {  	[dreg:$0x0] =	wrdreg $0x60  }
0x3b: {  	[dreg:$0x2] =	wrdreg s25  }
0x3c: {  	[dreg:$0x3] =	wrdreg s18  }
0x3d: {  	[dreg:$0x4] =	wrdreg $0xB  }
0x3e: {  	_ =	task.clear_ibuf [dreg:s23], $0x5FFFF;
	_ =	strace $0x90000052  }
0x3f: {  	s29 =	simm.s32 $0xB;
	_ =	strace $0x80000054  }
0x40: {  	_ =	swait.ge [sflag:s29], $0x1  }
0x41: {  	[sflag:s29] =	ssyncadd.s32 $0xFFFFFFFF  }
0x42: {  	_ =	strace $0x90000054  }
0x43: {  	_ =	sfence  }
0x44: {  	s30 =	sld [smem:$0x0];
	_ =	sdelay $0x2  }
0x45: {  	s31 =	sshll.u32 s1, $0xD;
	s1 =	sshrl.u32 s1, $0x2  }
0x46: {  	s4 =	sand.u32 $0x4000, s31;
	s1 =	sadd.s32 s1, s30  }
0x47: {  	s0 =	sor.u32 s4, s0;
	s1 =	sshll.u32 s1, $0x11  }
0x48: {  	s0 =	sor.u32 s1, s0  }
0x49: {  	s0 =	sadd.s32 $0x8F2B, s0  }
0x4a: {  	[sflag:s0] =	ssyncadd.remote.s32 $0x1  }
0x4b: {  	_ =	sfence.sel $0xFFFF  }
0x4c: {  	[dreg:$0x0] =	wrdreg $0xFFFFFFFF;
	(pc) =	sbr.abs _section_cstart, $3  }
0x4d: {  	[dreg:$0x1] =	wrdreg $0xFFFFFFFF  }
0x4e: {  	_ =	task.clear_ibuf [dreg:s23], $0x2FFFF;
	_ =	strace $0x9FFFFFFF  }
0x4f: {  	(tm) =	ssettm $0x7FFFFFFF  }
tec
execute0_lowered:
.L_overlay_start_1:
0x0: {  	(tag) =	ssettag $0x1  }
0x1: {  	s0 =	srdreg.scid  }
0x2: {  	s1 =	sshll.u32 s0, $0x4  }
0x3: {  	s0 =	stileid.u32;
	s1 =	sand.u32 $0x10, s1  }
0x4: {  	s1 =	sor.u32 s0, s1  }
0x5: {  	s6 =	rddreg [dreg:$0x0];
	s4 =	simm.s32 $0x1;
	s2 =	sshll.u32 s1, $0x7  }
0x6: {  	s7 =	simm.s32 $0x2;
	s12 =	simm.s32 $0x0;
	s1 =	ssub.s32 $0x4000, s2  }
0x7: {  	s8 =	simm.s32 $0x20000;
	s13 =	simm.s32 $0x0;
	s3 =	sand.u32 $0xF80, s1  }
0x8: {  	s9 =	simm.s32 $0x0;
	s5 =	sshrl.u32 s1, $0xC;
	p0 =	sne.s32 s3, $0x0  }
.Ltmp0:
0x9: {  	s1 =	rddreg [dreg:$0x2];
	s4 =	simm.s32 @!p0 $0x0;
	(pc) =	sbr.rel .LBB1_1-.Ltmp0, $4  }
0xa: {  	s11 =	simm.s32 $0x0;
	s3 =	rddreg [dreg:$0x1];
	s5 =	sadd.s32 s4, s5  }
0xb: {  	_ =	strace $0x80000053;
	s4 =	simm.s32 $0x1;
	s5 =	smul.u32 $0x14, s5  }
0xc: {  	s6 =	sadd.s32 $0x6E5800, s6;
	s10 =	smov.u32 s2;
	[sflag:s4] =	ssyncpa.u1 $0x0  }
0xd: {  	p0 =	por $0x0, $0x0;
	[sflag:s7] =	ssyncpa.u1 $0x0;
	s7 =	sor.u32 $0x1, s5  }
.LBB1_4:
0xe: {  	s16 =	sshll.u32 s13, $0x3;
	s17 =	sand.u32 $0x78, s13  }
0xf: {  	s30 =	sand.u32 $0x1F800, s13;
	s12 =	sshll.u32 s12, $0x11;
	s16 =	sand.u32 $0x3C00, s16  }
0x10: {  	[tilespmem:s15+$0x810 ss:$0x81] =	vst.msk $0xffff, v2;
	s31 =	sand.u32 $0x7, s13;
	s16 =	sor.u32 s17, s16;
	s17 =	sadd.s32 s3, s30  }
0x11: {  	[tilespmem:s15+$0x1020 ss:$0x81] =	vst.msk $0xffff, v0;
	s13 =	sshll.u32 s31, $0x12;
	s12 =	sadd.s32 s12, s17;
	s16 =	sshrl.u32 s16, $0x3  }
0x12: {  	[tilespmem:s15+$0x0 ss:$0x81] =	vst.msk $0xffff, v1;
	s13 =	sor.u32 $0x400, s13;
	s12 =	sadd.s32 s16, s12  }
0x13: {  	[hbm4b:s12+s13] =	stream.strided.scatter [tilespmem:s14], [sflag:$0x2], $0x2000, s8, s13, $0x20;
	[tilespmem:$0x8080] =	vst v63  }
.LBB1_5:
0x14: {  	s14 =	sadd.s32 $0x1, s9  }
0x15: {  	s12 =	sadd.s32 $0x1000, s10;
	s16 =	smov.u32 s10;
	p2 =	sgt.s32 s14, $0x13  }
0x16: {  	s16 =	smov.u32 @p2 s12  }
0x17: {  	s14 =	simm.s32 @p2 $0x0;
	p2 =	sgt.s32 s16, $0x3FFF  }
0x18: {  	s16 =	smov.u32 @p2 s2;
	p2 =	sne.s32 s11, s7  }
.Ltmp1:
0x19: {  	p1 =	slt.u32 s11, $0x2;
	(pc) =	sbr.rel @!p2 .LBB1_6-.Ltmp1, $4  }
0x1a: {  	s15 =	simm.s32 @!p1 $0x2  }
0x1b: {  	s13 =	smov.u32 s10;
	p0 =	por !p0, !p0;
	_ =	swait.ge @!p1 [sflag:s15], $0x2000  }
0x1c: {  	s12 =	smov.u32 s9;
	[sflag:s15] =	ssyncset.done @!p1 $0x0;
	s9 =	smov.u32 s14  }
0x1d: {  	s11 =	sadd.s32 $0x1, s11;
	[sflag:s15] =	ssyncadd.s32 @!p1 $0xFFFFE000;
	s10 =	smov.u32 s16  }
.LBB1_1:
0x1e: {  	p1 =	sge.u32 s11, s5  }
0x1f: {  	s14 =	sand.u32 @!p1 $0x1FFFFFF, s9  }
0x20: {  	s15 =	smulhi.u32 @!p1 $0xAAAAAAB, s14;
	_ =	sdelay $0x1  }
0x21: {  	s15 =	smul.u32 @!p1 $0x18, s15  }
0x22: {  	s16 =	sxor.u32 @!p1 $0xFFFFFFFF, s11;
	s17 =	smul.u32 @!p1 $0x180, s10  }
0x23: {  	s31 =	sadd.s32 $0xFFFFFFFF, s11;
	s16 =	sshll.u32 @!p1 s16, $0xD;
	s14 =	ssub.s32 @!p1 s14, s15  }
0x24: {  	s15 =	sand.u32 @!p1 $0x2000, s16;
	s16 =	sadd.s32 @!p1 s6, s17;
	s14 =	sshll.u32 @!p1 s14, $0x4  }
0x25: {  	s17 =	simm.s32 @!p1 $0xC00;
	s14 =	sadd.s32 @!p1 s14, s16;
	s16 =	simm.s32 @!p1 $0x40  }
0x26: {  	[tilespmem:s15], [sflag:$0x1] =	stream.strided.gather @!p1 [hbm4b:s14+s16], $0x2000, s17, s16, $0x38;
	[tilespmem:$0x8080] =	vst v63  }
0x27: {  	p1 =	sge.u32 s31, s5  }
.Ltmp2:
0x28: {  	_ = 	snop;
	(pc) =	sbr.rel @p1 .LBB1_5-.Ltmp2, $1  }
0x29: {  	_ =	sdelay $0x3  }
0x2a: {  	s14 =	simm.s32 $0x1  }
0x2b: {  	_ =	swait.ge [sflag:s4], $0x2000;
	s14 =	simm.s32 @!p0 $0x0  }
0x2c: {  	[sflag:s4] =	ssyncset.done $0x0;
	s15 =	sshll.u32 s14, $0xD  }
0x2d: {  	[sflag:s4] =	ssyncadd.s32 $0xFFFFE000;
	s18 =	sor.u32 $0x20, s15  }
0x2e: {  	s14 =	smul.u32 $0x8100, s14;
	v3 =	vld [tilespmem:s18+$0x10]  }
0x2f: {  	s30 =	sand.u32 $0x1, s11;
	v2 =	vld [tilespmem:s18+$0xFFFFFFF0]  }
0x30: {  	s15 =	smul.u32 $0x8100, s30;
	s14 =	sshrl.u32 s14, $0x2;
	v0 =	vld [tilespmem:s18+$0x0]  }
0x31: {  	v1 =	vld [tilespmem:s18+$0xFFFFFFE0];
	s16 =	sor.u32 $0x4000, s14  }
0x32: {  	s31 =	sshrl.u32 s15, $0x2;
	s15 =	sadd.s32 $0x0, s16  }
0x33: {  	s17 =	simm.s32 $0x4;
	s18 =	sadd.s32 $0x40, s18;
	s14 =	sor.u32 $0x4000, s31;
	[tilespmem:s15+$0x1830 ss:$0x81] =	vst.msk $0xffff, v3  }
.LBB1_3:
0x34: {  	v3 =	vld [tilespmem:s18+$0x10];
	p1 =	sne.s32 s17, $0x1FC;
	[tilespmem:s15+$0x810 ss:$0x81] =	vst.msk $0xffff, v2;
	s19 =	smov.u32 s17;
	s17 =	sadd.s32 $0x4, s17  }
.Ltmp3:
0x35: {  	v2 =	vld [tilespmem:s18+$0xFFFFFFF0];
	[tilespmem:s15+$0x1020 ss:$0x81] =	vst.msk $0xffff, v0;
	(pc) =	sbr.rel @p1 .LBB1_3-.Ltmp3, $4  }
0x36: {  	v0 =	vld [tilespmem:s18+$0x0];
	[tilespmem:s15+$0x0 ss:$0x81] =	vst.msk $0xffff, v1  }
0x37: {  	s15 =	sshra.s32 s19, $0x2;
	v1 =	vld [tilespmem:s18+$0xFFFFFFE0]  }
0x38: {  	s15 =	sadd.s32 s15, s16  }
0x39: {  	s18 =	sadd.s32 $0x40, s18;
	[tilespmem:s15+$0x1830 ss:$0x81] =	vst.msk $0xffff, v3  }
.Ltmp4:
0x3a: {  	_ = 	snop;
	(pc) =	sbr.rel .LBB1_4-.Ltmp4, $1  }
0x3b: {  	_ =	sdelay $0x3  }
.LBB1_6:
0x3c: {  	_ =	sfence.sel $0x180000  }
0x3d: {  	s2 =	simm.s32 $0x1;
	[bflag:$0x0] =	sbarrier.arrive $0xFFFF  }
0x3e: {  	s31 =	simm.s32 $0x2;
	[sflag:s2] =	ssyncpa.u1 $0x1  }
0x3f: {  	[sflag:s31] =	ssyncpa.u1 $0x1  }
0x40: {  	p0 =	sne.s32 s0, $0x0;
	_ =	strace $0x90000053  }
0x41: {  	s0 =	sadd.s32 @!p0 $0x100000, s1;
	[bflag:$0x2] =	sbarrier.arrive $0xFFFF  }
0x42: {  	[sflag:s0] =	ssyncadd.tile.s32 @!p0 $0x1;
	_ =	shalt  }
.Lfunc_end1:
_tile_overlayer_lowered:
.L_overlay_start_2:
0x43: {  	(tag) =	ssettag $0x2  }
0x44: {  	s0 =	rddreg [dreg:$0x0];
	s2 =	stileid.u32  }
0x45: {  	s1 =	rddreg [dreg:$0x1];
	p0 =	sne.s32 s2, $0x0  }
0x46: {  	s3 =	rddreg [dreg:$0x2];
	[bflag:$0x3] =	sbarrier.arrive $0xFFFF;
	s2 =	simm.s32 @!p0 $0x1C01  }
0x47: {  	[timem:s3], [sflag:s2] =	dma.local @!p0 [hbm:s0], s1  }
0x48: {  	s0 =	simm.s32 @!p0 $0x1  }
0x49: {  	_ =	swait.ge @!p0 [sflag:s0], s1  }
0x4a: {  	s1 =	ssub.s32 @!p0 $0x0, s1;
	[sflag:s0] =	ssyncset.done @!p0 $0x0  }
0x4b: {  	[sflag:s0] =	ssyncadd.s32 @!p0 s1  }
0x4c: {  	[bflag:$0x3] =	sbarrier.arrive $0xFFFF  }
0x4d: {  	_ =	shalt  }

// kernel: sparse-core-data-format-call.2.cloned.1.call-start
scs
called_computation.2_lowered:
.L_overlay_start_0:
0x0: {  	s2 =	sld [smem:$0x3FD9]  }
0x1: {  	s3 =	sld [smem:$0x3FFE];
	_ =	sdelay $0x1  }
0x2: {  	s1 =	srdreg.scid  }
0x3: {  	s0 =	sand.u32 $0x1, s1  }
0x4: {  	s16 =	sshll.u32 s0, $0xA;
	s2 =	sadd.s32 s3, s2  }
0x5: {  	s2 =	sadd.s32 s2, s16  }
0x6: {  	[smem:$0x3FC2] =	sst s2  }
0x7: {  	_ = 	snop  }
0x8: {  	s2 =	sld [smem:$0x3FD0];
	_ =	sdelay $0x2  }
0x9: {  	s17 =	simm.s32 $0xC;
	s4 =	simm.s32 $0x10  }
0xa: {  	[smem:s4], [sflag:s17] =	dma.local [hbm:s2], $0x1  }
0xb: {  	_ =	swait.eq [sflag:s17], $0x1  }
0xc: {  	[sflag:s17] =	ssyncset.done $0x0  }
0xd: {  	[sflag:s17] =	ssyncadd.s32 $0xFFFFFFFF  }
0xe: {  	s18 =	sld [smem:$0x10];
	(tm) =	ssettm $0x1  }
0xf: {  	s19 =	sld [smem:$0x3FFB];
	_ =	sdelay $0x3  }
0x10: {  	_ =	strace s19  }
0x11: {  	s2 =	sld [smem:$0x3FFC];
	_ =	sdelay $0x3  }
0x12: {  	_ =	strace s2  }
0x13: {  	s2 =	sld [smem:$0x3FFD];
	_ =	sdelay $0x3  }
0x14: {  	_ =	strace s2  }
0x15: {  	_ =	strace $0x8FFFFFFF  }
0x16: {  	s20 =	sld [smem:$0x3FDB];
	_ =	sdelay $0x1  }
0x17: {  	s21 =	simm.s32 $_scs_section_size  }
0x18: {  	s5 =	simm.s32 $_size__tile_overlayer_lowered;
	s6 =	simm.s32 $_tile_overlayer_lowered  }
0x19: {  	s7 =	simm.s32 $0x1BFF;
	s22 =	sshll.u32 s6, $0x1;
	s4 =	sadd.s32 s21, s20  }
0x1a: {  	s23 =	simm.s32 $0x0;
	s5 =	sshll.u32 s5, $0x1;
	s6 =	sadd.s32 s22, s4  }
0x1b: {  	[timem:s23], [sflag:s7] =	dma.local [hbm:s6], s5  }
0x1c: {  	_ =	swait.ge [sflag:s7], s5  }
0x1d: {  	s5 =	ssub.s32 $0x0, s5;
	[sflag:s7] =	ssyncset.done $0x0  }
0x1e: {  	[sflag:s7] =	ssyncadd.s32 s5;
	_ =	sdelay $0x1  }
0x1f: {  	s24 =	simm.s32 $0x1B8B  }
0x20: {  	_ =	swait.ge [sflag:s24], $0x1  }
0x21: {  	[sflag:s24] =	ssyncset.done $0x0  }
0x22: {  	[sflag:s24] =	ssyncadd.s32 $0xFFFFFFFF  }
0x23: {  	s5 =	sld [smem:$0x0]  }
0x24: {  	s6 =	sand.u32 $0xFFFFFFFE, s1  }
0x25: {  	p0 =	sne.s32 s1, s6  }
0x26: {  	s6 =	sshll.u32 @p0 s6, $0xE  }
0x27: {  	s6 =	sadd.s32 @p0 $0x11B8D, s6;
	s7 =	sshll.u32 @p0 s5, $0x11  }
0x28: {  	s6 =	sor.u32 @p0 s7, s6  }
0x29: {  	[sflag:s6] =	ssyncadd.remote.s32 @p0 $0x1;
	_ =	sdelay $0x1  }
0x2a: {  	s6 =	simm.s32 @p0 $0x1B8D  }
0x2b: {  	_ =	swait.eq @p0 [sflag:s6], $0x1  }
0x2c: {  	[sflag:s6] =	ssyncadd.s32 @p0 $0xFFFFFFFF  }
0x2d: {  	s7 =	sshll.u32 @!p0 s1, $0xE  }
0x2e: {  	s7 =	sor.u32 @!p0 $0x4000, s7;
	s6 =	simm.s32 @!p0 $0x1B8D  }
0x2f: {  	s5 =	sshll.u32 @!p0 s5, $0x11;
	s7 =	sadd.s32 @!p0 $0x11B8D, s7;
	_ =	swait.eq @!p0 [sflag:s6], $0x1  }
0x30: {  	s5 =	sor.u32 @!p0 s5, s7;
	[sflag:s6] =	ssyncadd.s32 @!p0 $0xFFFFFFFF  }
0x31: {  	s26 =	simm.s32 $0x1B8E;
	s25 =	sld [smem:$0x3FFE];
	[sflag:s5] =	ssyncadd.remote.s32 @!p0 $0x1  }
0x32: {  	s27 =	simm.s32 $execute0_lowered;
	[smem:$0x3FD2] =	sst s26  }
0x33: {  	s6 =	sshll.u32 s27, $0x1;
	_ =	strace $0x8000004F;
	[dreg:$0x1] =	wrdreg $0xFFFFFFFF  }
0x34: {  	s28 =	simm.s32 $_size_execute0_lowered;
	s4 =	sadd.s32 s4, s6;
	[dreg:$0x0] =	wrdreg $0x0  }
0x35: {  	s6 =	sshll.u32 s28, $0x1;
	[dreg:$0x2] =	wrdreg s4  }
0x36: {  	[dreg:$0x3] =	wrdreg s6  }
0x37: {  	[dreg:$0x4] =	wrdreg $0xC0  }
0x38: {  	_ =	task [dreg:s23], $0x5FFFF  }
0x39: {  	[dreg:$0x1] =	wrdreg $0xFFFFFFFF  }
0x3a: {  	[dreg:$0x0] =	wrdreg $0x60  }
0x3b: {  	[dreg:$0x2] =	wrdreg s25  }
0x3c: {  	[dreg:$0x3] =	wrdreg s18  }
0x3d: {  	[dreg:$0x4] =	wrdreg $0x9  }
0x3e: {  	_ =	task.clear_ibuf [dreg:s23], $0x5FFFF;
	_ =	strace $0x9000004F  }
0x3f: {  	s29 =	simm.s32 $0x9;
	_ =	strace $0x80000051  }
0x40: {  	_ =	swait.ge [sflag:s29], $0x1  }
0x41: {  	[sflag:s29] =	ssyncadd.s32 $0xFFFFFFFF  }
0x42: {  	_ =	strace $0x90000051  }
0x43: {  	_ =	sfence  }
0x44: {  	s30 =	sld [smem:$0x0];
	_ =	sdelay $0x2  }
0x45: {  	s31 =	sshll.u32 s1, $0xD;
	s1 =	sshrl.u32 s1, $0x2  }
0x46: {  	s4 =	sand.u32 $0x4000, s31;
	s1 =	sadd.s32 s1, s30  }
0x47: {  	s0 =	sor.u32 s4, s0;
	s1 =	sshll.u32 s1, $0x11  }
0x48: {  	s0 =	sor.u32 s1, s0  }
0x49: {  	s0 =	sadd.s32 $0x8F2B, s0  }
0x4a: {  	[sflag:s0] =	ssyncadd.remote.s32 $0x1  }
0x4b: {  	_ =	sfence.sel $0xFFFF  }
0x4c: {  	[dreg:$0x0] =	wrdreg $0xFFFFFFFF;
	(pc) =	sbr.abs _section_cstart, $3  }
0x4d: {  	[dreg:$0x1] =	wrdreg $0xFFFFFFFF  }
0x4e: {  	_ =	task.clear_ibuf [dreg:s23], $0x2FFFF;
	_ =	strace $0x9FFFFFFF  }
0x4f: {  	(tm) =	ssettm $0x7FFFFFFF  }
tec
execute0_lowered:
.L_overlay_start_1:
0x0: {  	(tag) =	ssettag $0x1  }
0x1: {  	s0 =	srdreg.scid  }
0x2: {  	s1 =	sshll.u32 s0, $0x4  }
0x3: {  	s0 =	stileid.u32;
	s1 =	sand.u32 $0x10, s1  }
0x4: {  	s1 =	sor.u32 s0, s1  }
0x5: {  	s6 =	rddreg [dreg:$0x0];
	s4 =	simm.s32 $0x1;
	s2 =	sshll.u32 s1, $0x7  }
0x6: {  	s7 =	simm.s32 $0x2;
	s12 =	simm.s32 $0x0;
	s1 =	ssub.s32 $0x4000, s2  }
0x7: {  	s8 =	simm.s32 $0x20000;
	s13 =	simm.s32 $0x0;
	s3 =	sand.u32 $0xF80, s1  }
0x8: {  	s9 =	simm.s32 $0x0;
	s5 =	sshrl.u32 s1, $0xC;
	p0 =	sne.s32 s3, $0x0  }
.Ltmp0:
0x9: {  	s1 =	rddreg [dreg:$0x2];
	s4 =	simm.s32 @!p0 $0x0;
	(pc) =	sbr.rel .LBB1_1-.Ltmp0, $4  }
0xa: {  	s11 =	simm.s32 $0x0;
	s3 =	rddreg [dreg:$0x1];
	s5 =	sadd.s32 s4, s5  }
0xb: {  	_ =	strace $0x80000050;
	s4 =	simm.s32 $0x1;
	s5 =	smul.u32 $0x14, s5  }
0xc: {  	s6 =	sadd.s32 $0xE5800, s6;
	s10 =	smov.u32 s2;
	[sflag:s4] =	ssyncpa.u1 $0x0  }
0xd: {  	p0 =	por $0x0, $0x0;
	[sflag:s7] =	ssyncpa.u1 $0x0;
	s7 =	sor.u32 $0x1, s5  }
.LBB1_4:
0xe: {  	s16 =	sshll.u32 s13, $0x3;
	s17 =	sand.u32 $0x78, s13  }
0xf: {  	s30 =	sand.u32 $0x1F800, s13;
	s12 =	sshll.u32 s12, $0x11;
	s16 =	sand.u32 $0x3C00, s16  }
0x10: {  	[tilespmem:s15+$0x810 ss:$0x81] =	vst.msk $0xffff, v2;
	s31 =	sand.u32 $0x7, s13;
	s16 =	sor.u32 s17, s16;
	s17 =	sadd.s32 s3, s30  }
0x11: {  	[tilespmem:s15+$0x1020 ss:$0x81] =	vst.msk $0xffff, v0;
	s13 =	sshll.u32 s31, $0x12;
	s12 =	sadd.s32 s12, s17;
	s16 =	sshrl.u32 s16, $0x3  }
0x12: {  	[tilespmem:s15+$0x0 ss:$0x81] =	vst.msk $0xffff, v1;
	s13 =	sor.u32 $0x400, s13;
	s12 =	sadd.s32 s16, s12  }
0x13: {  	[hbm4b:s12+s13] =	stream.strided.scatter [tilespmem:s14], [sflag:$0x2], $0x2000, s8, s13, $0x20;
	[tilespmem:$0x8080] =	vst v63  }
.LBB1_5:
0x14: {  	s14 =	sadd.s32 $0x1, s9  }
0x15: {  	s12 =	sadd.s32 $0x1000, s10;
	s16 =	smov.u32 s10;
	p2 =	sgt.s32 s14, $0x13  }
0x16: {  	s16 =	smov.u32 @p2 s12  }
0x17: {  	s14 =	simm.s32 @p2 $0x0;
	p2 =	sgt.s32 s16, $0x3FFF  }
0x18: {  	s16 =	smov.u32 @p2 s2;
	p2 =	sne.s32 s11, s7  }
.Ltmp1:
0x19: {  	p1 =	slt.u32 s11, $0x2;
	(pc) =	sbr.rel @!p2 .LBB1_6-.Ltmp1, $4  }
0x1a: {  	s15 =	simm.s32 @!p1 $0x2  }
0x1b: {  	s13 =	smov.u32 s10;
	p0 =	por !p0, !p0;
	_ =	swait.ge @!p1 [sflag:s15], $0x2000  }
0x1c: {  	s12 =	smov.u32 s9;
	[sflag:s15] =	ssyncset.done @!p1 $0x0;
	s9 =	smov.u32 s14  }
0x1d: {  	s11 =	sadd.s32 $0x1, s11;
	[sflag:s15] =	ssyncadd.s32 @!p1 $0xFFFFE000;
	s10 =	smov.u32 s16  }
.LBB1_1:
0x1e: {  	p1 =	sge.u32 s11, s5  }
0x1f: {  	s14 =	sand.u32 @!p1 $0x1FFFFFF, s9  }
0x20: {  	s15 =	smulhi.u32 @!p1 $0xAAAAAAB, s14;
	_ =	sdelay $0x1  }
0x21: {  	s15 =	smul.u32 @!p1 $0x18, s15  }
0x22: {  	s16 =	sxor.u32 @!p1 $0xFFFFFFFF, s11;
	s17 =	smul.u32 @!p1 $0x180, s10  }
0x23: {  	s31 =	sadd.s32 $0xFFFFFFFF, s11;
	s16 =	sshll.u32 @!p1 s16, $0xD;
	s14 =	ssub.s32 @!p1 s14, s15  }
0x24: {  	s15 =	sand.u32 @!p1 $0x2000, s16;
	s16 =	sadd.s32 @!p1 s6, s17;
	s14 =	sshll.u32 @!p1 s14, $0x4  }
0x25: {  	s17 =	simm.s32 @!p1 $0xC00;
	s14 =	sadd.s32 @!p1 s14, s16;
	s16 =	simm.s32 @!p1 $0x40  }
0x26: {  	[tilespmem:s15], [sflag:$0x1] =	stream.strided.gather @!p1 [hbm4b:s14+s16], $0x2000, s17, s16, $0x38;
	[tilespmem:$0x8080] =	vst v63  }
0x27: {  	p1 =	sge.u32 s31, s5  }
.Ltmp2:
0x28: {  	_ = 	snop;
	(pc) =	sbr.rel @p1 .LBB1_5-.Ltmp2, $1  }
0x29: {  	_ =	sdelay $0x3  }
0x2a: {  	s14 =	simm.s32 $0x1  }
0x2b: {  	_ =	swait.ge [sflag:s4], $0x2000;
	s14 =	simm.s32 @!p0 $0x0  }
0x2c: {  	[sflag:s4] =	ssyncset.done $0x0;
	s15 =	sshll.u32 s14, $0xD  }
0x2d: {  	[sflag:s4] =	ssyncadd.s32 $0xFFFFE000;
	s18 =	sor.u32 $0x20, s15  }
0x2e: {  	s14 =	smul.u32 $0x8100, s14;
	v3 =	vld [tilespmem:s18+$0x10]  }
0x2f: {  	s30 =	sand.u32 $0x1, s11;
	v2 =	vld [tilespmem:s18+$0xFFFFFFF0]  }
0x30: {  	s15 =	smul.u32 $0x8100, s30;
	s14 =	sshrl.u32 s14, $0x2;
	v0 =	vld [tilespmem:s18+$0x0]  }
0x31: {  	v1 =	vld [tilespmem:s18+$0xFFFFFFE0];
	s16 =	sor.u32 $0x4000, s14  }
0x32: {  	s31 =	sshrl.u32 s15, $0x2;
	s15 =	sadd.s32 $0x0, s16  }
0x33: {  	s17 =	simm.s32 $0x4;
	s18 =	sadd.s32 $0x40, s18;
	s14 =	sor.u32 $0x4000, s31;
	[tilespmem:s15+$0x1830 ss:$0x81] =	vst.msk $0xffff, v3  }
.LBB1_3:
0x34: {  	v3 =	vld [tilespmem:s18+$0x10];
	p1 =	sne.s32 s17, $0x1FC;
	[tilespmem:s15+$0x810 ss:$0x81] =	vst.msk $0xffff, v2;
	s19 =	smov.u32 s17;
	s17 =	sadd.s32 $0x4, s17  }
.Ltmp3:
0x35: {  	v2 =	vld [tilespmem:s18+$0xFFFFFFF0];
	[tilespmem:s15+$0x1020 ss:$0x81] =	vst.msk $0xffff, v0;
	(pc) =	sbr.rel @p1 .LBB1_3-.Ltmp3, $4  }
0x36: {  	v0 =	vld [tilespmem:s18+$0x0];
	[tilespmem:s15+$0x0 ss:$0x81] =	vst.msk $0xffff, v1  }
0x37: {  	s15 =	sshra.s32 s19, $0x2;
	v1 =	vld [tilespmem:s18+$0xFFFFFFE0]  }
0x38: {  	s15 =	sadd.s32 s15, s16  }
0x39: {  	s18 =	sadd.s32 $0x40, s18;
	[tilespmem:s15+$0x1830 ss:$0x81] =	vst.msk $0xffff, v3  }
.Ltmp4:
0x3a: {  	_ = 	snop;
	(pc) =	sbr.rel .LBB1_4-.Ltmp4, $1  }
0x3b: {  	_ =	sdelay $0x3  }
.LBB1_6:
0x3c: {  	_ =	sfence.sel $0x180000  }
0x3d: {  	s2 =	simm.s32 $0x1;
	[bflag:$0x0] =	sbarrier.arrive $0xFFFF  }
0x3e: {  	s31 =	simm.s32 $0x2;
	[sflag:s2] =	ssyncpa.u1 $0x1  }
0x3f: {  	[sflag:s31] =	ssyncpa.u1 $0x1  }
0x40: {  	p0 =	sne.s32 s0, $0x0;
	_ =	strace $0x90000050  }
0x41: {  	s0 =	sadd.s32 @!p0 $0x100000, s1;
	[bflag:$0x2] =	sbarrier.arrive $0xFFFF  }
0x42: {  	[sflag:s0] =	ssyncadd.tile.s32 @!p0 $0x1;
	_ =	shalt  }
.Lfunc_end1:
_tile_overlayer_lowered:
.L_overlay_start_2:
0x43: {  	(tag) =	ssettag $0x2  }
0x44: {  	s0 =	rddreg [dreg:$0x0];
	s2 =	stileid.u32  }
0x45: {  	s1 =	rddreg [dreg:$0x1];
	p0 =	sne.s32 s2, $0x0  }
0x46: {  	s3 =	rddreg [dreg:$0x2];
	[bflag:$0x3] =	sbarrier.arrive $0xFFFF;
	s2 =	simm.s32 @!p0 $0x1C01  }
0x47: {  	[timem:s3], [sflag:s2] =	dma.local @!p0 [hbm:s0], s1  }
0x48: {  	s0 =	simm.s32 @!p0 $0x1  }
0x49: {  	_ =	swait.ge @!p0 [sflag:s0], s1  }
0x4a: {  	s1 =	ssub.s32 @!p0 $0x0, s1;
	[sflag:s0] =	ssyncset.done @!p0 $0x0  }
0x4b: {  	[sflag:s0] =	ssyncadd.s32 @!p0 s1  }
0x4c: {  	[bflag:$0x3] =	sbarrier.arrive $0xFFFF  }
0x4d: {  	_ =	shalt  }

// kernel: sparse-core-data-format-call.cloned.1.call-start
scs
called_computation_lowered:
.L_overlay_start_0:
0x0: {  	s2 =	sld [smem:$0x3FD9]  }
0x1: {  	s3 =	sld [smem:$0x3FFE];
	_ =	sdelay $0x1  }
0x2: {  	s1 =	srdreg.scid  }
0x3: {  	s0 =	sand.u32 $0x1, s1  }
0x4: {  	s16 =	sshll.u32 s0, $0xA;
	s2 =	sadd.s32 s3, s2  }
0x5: {  	s2 =	sadd.s32 s2, s16  }
0x6: {  	[smem:$0x3FC2] =	sst s2  }
0x7: {  	_ = 	snop  }
0x8: {  	s2 =	sld [smem:$0x3FD0];
	_ =	sdelay $0x2  }
0x9: {  	s17 =	simm.s32 $0xC;
	s4 =	simm.s32 $0x10  }
0xa: {  	[smem:s4], [sflag:s17] =	dma.local [hbm:s2], $0x1  }
0xb: {  	_ =	swait.eq [sflag:s17], $0x1  }
0xc: {  	[sflag:s17] =	ssyncset.done $0x0  }
0xd: {  	[sflag:s17] =	ssyncadd.s32 $0xFFFFFFFF  }
0xe: {  	s18 =	sld [smem:$0x12];
	(tm) =	ssettm $0x1  }
0xf: {  	s19 =	sld [smem:$0x3FFB];
	_ =	sdelay $0x3  }
0x10: {  	_ =	strace s19  }
0x11: {  	s2 =	sld [smem:$0x3FFC];
	_ =	sdelay $0x3  }
0x12: {  	_ =	strace s2  }
0x13: {  	s2 =	sld [smem:$0x3FFD];
	_ =	sdelay $0x3  }
0x14: {  	_ =	strace s2  }
0x15: {  	_ =	strace $0x8FFFFFFF  }
0x16: {  	s20 =	sld [smem:$0x3FDB];
	_ =	sdelay $0x1  }
0x17: {  	s21 =	simm.s32 $_scs_section_size  }
0x18: {  	s5 =	simm.s32 $_size__tile_overlayer_lowered;
	s6 =	simm.s32 $_tile_overlayer_lowered  }
0x19: {  	s7 =	simm.s32 $0x1BFF;
	s22 =	sshll.u32 s6, $0x1;
	s4 =	sadd.s32 s21, s20  }
0x1a: {  	s23 =	simm.s32 $0x0;
	s5 =	sshll.u32 s5, $0x1;
	s6 =	sadd.s32 s22, s4  }
0x1b: {  	[timem:s23], [sflag:s7] =	dma.local [hbm:s6], s5  }
0x1c: {  	_ =	swait.ge [sflag:s7], s5  }
0x1d: {  	s5 =	ssub.s32 $0x0, s5;
	[sflag:s7] =	ssyncset.done $0x0  }
0x1e: {  	[sflag:s7] =	ssyncadd.s32 s5;
	_ =	sdelay $0x1  }
0x1f: {  	s24 =	simm.s32 $0x1B8B  }
0x20: {  	_ =	swait.ge [sflag:s24], $0x1  }
0x21: {  	[sflag:s24] =	ssyncset.done $0x0  }
0x22: {  	[sflag:s24] =	ssyncadd.s32 $0xFFFFFFFF  }
0x23: {  	s5 =	sld [smem:$0x0]  }
0x24: {  	s6 =	sand.u32 $0xFFFFFFFE, s1  }
0x25: {  	p0 =	sne.s32 s1, s6  }
0x26: {  	s6 =	sshll.u32 @p0 s6, $0xE  }
0x27: {  	s6 =	sadd.s32 @p0 $0x11B8D, s6;
	s7 =	sshll.u32 @p0 s5, $0x11  }
0x28: {  	s6 =	sor.u32 @p0 s7, s6  }
0x29: {  	[sflag:s6] =	ssyncadd.remote.s32 @p0 $0x1;
	_ =	sdelay $0x1  }
0x2a: {  	s6 =	simm.s32 @p0 $0x1B8D  }
0x2b: {  	_ =	swait.eq @p0 [sflag:s6], $0x1  }
0x2c: {  	[sflag:s6] =	ssyncadd.s32 @p0 $0xFFFFFFFF  }
0x2d: {  	s7 =	sshll.u32 @!p0 s1, $0xE  }
0x2e: {  	s7 =	sor.u32 @!p0 $0x4000, s7;
	s6 =	simm.s32 @!p0 $0x1B8D  }
0x2f: {  	s5 =	sshll.u32 @!p0 s5, $0x11;
	s7 =	sadd.s32 @!p0 $0x11B8D, s7;
	_ =	swait.eq @!p0 [sflag:s6], $0x1  }
0x30: {  	s5 =	sor.u32 @!p0 s5, s7;
	[sflag:s6] =	ssyncadd.s32 @!p0 $0xFFFFFFFF  }
0x31: {  	s26 =	simm.s32 $0x1B8E;
	s25 =	sld [smem:$0x3FFE];
	[sflag:s5] =	ssyncadd.remote.s32 @!p0 $0x1  }
0x32: {  	s27 =	simm.s32 $execute0_lowered;
	[smem:$0x3FD2] =	sst s26  }
0x33: {  	s6 =	sshll.u32 s27, $0x1;
	_ =	strace $0x80000055;
	[dreg:$0x1] =	wrdreg $0xFFFFFFFF  }
0x34: {  	s28 =	simm.s32 $_size_execute0_lowered;
	s4 =	sadd.s32 s4, s6;
	[dreg:$0x0] =	wrdreg $0x0  }
0x35: {  	s6 =	sshll.u32 s28, $0x1;
	[dreg:$0x2] =	wrdreg s4  }
0x36: {  	[dreg:$0x3] =	wrdreg s6  }
0x37: {  	[dreg:$0x4] =	wrdreg $0xC0  }
0x38: {  	_ =	task [dreg:s23], $0x5FFFF  }
0x39: {  	[dreg:$0x1] =	wrdreg $0xFFFFFFFF  }
0x3a: {  	[dreg:$0x0] =	wrdreg $0x60  }
0x3b: {  	[dreg:$0x2] =	wrdreg s25  }
0x3c: {  	[dreg:$0x3] =	wrdreg s18  }
0x3d: {  	[dreg:$0x4] =	wrdreg $0xA  }
0x3e: {  	_ =	task.clear_ibuf [dreg:s23], $0x5FFFF;
	_ =	strace $0x90000055  }
0x3f: {  	s29 =	simm.s32 $0xA;
	_ =	strace $0x80000057  }
0x40: {  	_ =	swait.ge [sflag:s29], $0x1  }
0x41: {  	[sflag:s29] =	ssyncadd.s32 $0xFFFFFFFF  }
0x42: {  	_ =	strace $0x90000057  }
0x43: {  	_ =	sfence  }
0x44: {  	s30 =	sld [smem:$0x0];
	_ =	sdelay $0x2  }
0x45: {  	s31 =	sshll.u32 s1, $0xD;
	s1 =	sshrl.u32 s1, $0x2  }
0x46: {  	s4 =	sand.u32 $0x4000, s31;
	s1 =	sadd.s32 s1, s30  }
0x47: {  	s0 =	sor.u32 s4, s0;
	s1 =	sshll.u32 s1, $0x11  }
0x48: {  	s0 =	sor.u32 s1, s0  }
0x49: {  	s0 =	sadd.s32 $0x8F2B, s0  }
0x4a: {  	[sflag:s0] =	ssyncadd.remote.s32 $0x1  }
0x4b: {  	_ =	sfence.sel $0xFFFF  }
0x4c: {  	[dreg:$0x0] =	wrdreg $0xFFFFFFFF;
	(pc) =	sbr.abs _section_cstart, $3  }
0x4d: {  	[dreg:$0x1] =	wrdreg $0xFFFFFFFF  }
0x4e: {  	_ =	task.clear_ibuf [dreg:s23], $0x2FFFF;
	_ =	strace $0x9FFFFFFF  }
0x4f: {  	(tm) =	ssettm $0x7FFFFFFF  }
tec
execute0_lowered:
.L_overlay_start_1:
0x0: {  	(tag) =	ssettag $0x1  }
0x1: {  	s0 =	srdreg.scid  }
0x2: {  	s1 =	sshll.u32 s0, $0x4  }
0x3: {  	s0 =	stileid.u32;
	s1 =	sand.u32 $0x10, s1  }
0x4: {  	s1 =	sor.u32 s0, s1  }
0x5: {  	s6 =	rddreg [dreg:$0x0];
	s4 =	simm.s32 $0x1;
	s2 =	sshll.u32 s1, $0x7  }
0x6: {  	s7 =	simm.s32 $0x2;
	s12 =	simm.s32 $0x0;
	s1 =	ssub.s32 $0x4000, s2  }
0x7: {  	s8 =	simm.s32 $0x20000;
	s13 =	simm.s32 $0x0;
	s3 =	sand.u32 $0xF80, s1  }
0x8: {  	s9 =	simm.s32 $0x0;
	s5 =	sshrl.u32 s1, $0xC;
	p0 =	sne.s32 s3, $0x0  }
.Ltmp0:
0x9: {  	s1 =	rddreg [dreg:$0x2];
	s4 =	simm.s32 @!p0 $0x0;
	(pc) =	sbr.rel .LBB1_1-.Ltmp0, $4  }
0xa: {  	s11 =	simm.s32 $0x0;
	s3 =	rddreg [dreg:$0x1];
	s5 =	sadd.s32 s4, s5  }
0xb: {  	_ =	strace $0x80000056;
	s4 =	simm.s32 $0x1;
	s5 =	smul.u32 $0x14, s5  }
0xc: {  	s6 =	sadd.s32 $0xCE5800, s6;
	s10 =	smov.u32 s2;
	[sflag:s4] =	ssyncpa.u1 $0x0  }
0xd: {  	p0 =	por $0x0, $0x0;
	[sflag:s7] =	ssyncpa.u1 $0x0;
	s7 =	sor.u32 $0x1, s5  }
.LBB1_4:
0xe: {  	s16 =	sshll.u32 s13, $0x3;
	s17 =	sand.u32 $0x78, s13  }
0xf: {  	s30 =	sand.u32 $0x1F800, s13;
	s12 =	sshll.u32 s12, $0x11;
	s16 =	sand.u32 $0x3C00, s16  }
0x10: {  	[tilespmem:s15+$0x810 ss:$0x81] =	vst.msk $0xffff, v2;
	s31 =	sand.u32 $0x7, s13;
	s16 =	sor.u32 s17, s16;
	s17 =	sadd.s32 s3, s30  }
0x11: {  	[tilespmem:s15+$0x1020 ss:$0x81] =	vst.msk $0xffff, v0;
	s13 =	sshll.u32 s31, $0x12;
	s12 =	sadd.s32 s12, s17;
	s16 =	sshrl.u32 s16, $0x3  }
0x12: {  	[tilespmem:s15+$0x0 ss:$0x81] =	vst.msk $0xffff, v1;
	s13 =	sor.u32 $0x400, s13;
	s12 =	sadd.s32 s16, s12  }
0x13: {  	[hbm4b:s12+s13] =	stream.strided.scatter [tilespmem:s14], [sflag:$0x2], $0x2000, s8, s13, $0x20;
	[tilespmem:$0x8080] =	vst v63  }
.LBB1_5:
0x14: {  	s14 =	sadd.s32 $0x1, s9  }
0x15: {  	s12 =	sadd.s32 $0x1000, s10;
	s16 =	smov.u32 s10;
	p2 =	sgt.s32 s14, $0x13  }
0x16: {  	s16 =	smov.u32 @p2 s12  }
0x17: {  	s14 =	simm.s32 @p2 $0x0;
	p2 =	sgt.s32 s16, $0x3FFF  }
0x18: {  	s16 =	smov.u32 @p2 s2;
	p2 =	sne.s32 s11, s7  }
.Ltmp1:
0x19: {  	p1 =	slt.u32 s11, $0x2;
	(pc) =	sbr.rel @!p2 .LBB1_6-.Ltmp1, $4  }
0x1a: {  	s15 =	simm.s32 @!p1 $0x2  }
0x1b: {  	s13 =	smov.u32 s10;
	p0 =	por !p0, !p0;
	_ =	swait.ge @!p1 [sflag:s15], $0x2000  }
0x1c: {  	s12 =	smov.u32 s9;
	[sflag:s15] =	ssyncset.done @!p1 $0x0;
	s9 =	smov.u32 s14  }
0x1d: {  	s11 =	sadd.s32 $0x1, s11;
	[sflag:s15] =	ssyncadd.s32 @!p1 $0xFFFFE000;
	s10 =	smov.u32 s16  }
.LBB1_1:
0x1e: {  	p1 =	sge.u32 s11, s5  }
0x1f: {  	s14 =	sand.u32 @!p1 $0x1FFFFFF, s9  }
0x20: {  	s15 =	smulhi.u32 @!p1 $0xAAAAAAB, s14;
	_ =	sdelay $0x1  }
0x21: {  	s15 =	smul.u32 @!p1 $0x18, s15  }
0x22: {  	s16 =	sxor.u32 @!p1 $0xFFFFFFFF, s11;
	s17 =	smul.u32 @!p1 $0x180, s10  }
0x23: {  	s31 =	sadd.s32 $0xFFFFFFFF, s11;
	s16 =	sshll.u32 @!p1 s16, $0xD;
	s14 =	ssub.s32 @!p1 s14, s15  }
0x24: {  	s15 =	sand.u32 @!p1 $0x2000, s16;
	s16 =	sadd.s32 @!p1 s6, s17;
	s14 =	sshll.u32 @!p1 s14, $0x4  }
0x25: {  	s17 =	simm.s32 @!p1 $0xC00;
	s14 =	sadd.s32 @!p1 s14, s16;
	s16 =	simm.s32 @!p1 $0x40  }
0x26: {  	[tilespmem:s15], [sflag:$0x1] =	stream.strided.gather @!p1 [hbm4b:s14+s16], $0x2000, s17, s16, $0x38;
	[tilespmem:$0x8080] =	vst v63  }
0x27: {  	p1 =	sge.u32 s31, s5  }
.Ltmp2:
0x28: {  	_ = 	snop;
	(pc) =	sbr.rel @p1 .LBB1_5-.Ltmp2, $1  }
0x29: {  	_ =	sdelay $0x3  }
0x2a: {  	s14 =	simm.s32 $0x1  }
0x2b: {  	_ =	swait.ge [sflag:s4], $0x2000;
	s14 =	simm.s32 @!p0 $0x0  }
0x2c: {  	[sflag:s4] =	ssyncset.done $0x0;
	s15 =	sshll.u32 s14, $0xD  }
0x2d: {  	[sflag:s4] =	ssyncadd.s32 $0xFFFFE000;
	s18 =	sor.u32 $0x20, s15  }
0x2e: {  	s14 =	smul.u32 $0x8100, s14;
	v3 =	vld [tilespmem:s18+$0x10]  }
0x2f: {  	s30 =	sand.u32 $0x1, s11;
	v2 =	vld [tilespmem:s18+$0xFFFFFFF0]  }
0x30: {  	s15 =	smul.u32 $0x8100, s30;
	s14 =	sshrl.u32 s14, $0x2;
	v0 =	vld [tilespmem:s18+$0x0]  }
0x31: {  	v1 =	vld [tilespmem:s18+$0xFFFFFFE0];
	s16 =	sor.u32 $0x4000, s14  }
0x32: {  	s31 =	sshrl.u32 s15, $0x2;
	s15 =	sadd.s32 $0x0, s16  }
0x33: {  	s17 =	simm.s32 $0x4;
	s18 =	sadd.s32 $0x40, s18;
	s14 =	sor.u32 $0x4000, s31;
	[tilespmem:s15+$0x1830 ss:$0x81] =	vst.msk $0xffff, v3  }
.LBB1_3:
0x34: {  	v3 =	vld [tilespmem:s18+$0x10];
	p1 =	sne.s32 s17, $0x1FC;
	[tilespmem:s15+$0x810 ss:$0x81] =	vst.msk $0xffff, v2;
	s19 =	smov.u32 s17;
	s17 =	sadd.s32 $0x4, s17  }
.Ltmp3:
0x35: {  	v2 =	vld [tilespmem:s18+$0xFFFFFFF0];
	[tilespmem:s15+$0x1020 ss:$0x81] =	vst.msk $0xffff, v0;
	(pc) =	sbr.rel @p1 .LBB1_3-.Ltmp3, $4  }
0x36: {  	v0 =	vld [tilespmem:s18+$0x0];
	[tilespmem:s15+$0x0 ss:$0x81] =	vst.msk $0xffff, v1  }
0x37: {  	s15 =	sshra.s32 s19, $0x2;
	v1 =	vld [tilespmem:s18+$0xFFFFFFE0]  }
0x38: {  	s15 =	sadd.s32 s15, s16  }
0x39: {  	s18 =	sadd.s32 $0x40, s18;
	[tilespmem:s15+$0x1830 ss:$0x81] =	vst.msk $0xffff, v3  }
.Ltmp4:
0x3a: {  	_ = 	snop;
	(pc) =	sbr.rel .LBB1_4-.Ltmp4, $1  }
0x3b: {  	_ =	sdelay $0x3  }
.LBB1_6:
0x3c: {  	_ =	sfence.sel $0x180000  }
0x3d: {  	s2 =	simm.s32 $0x1;
	[bflag:$0x0] =	sbarrier.arrive $0xFFFF  }
0x3e: {  	s31 =	simm.s32 $0x2;
	[sflag:s2] =	ssyncpa.u1 $0x1  }
0x3f: {  	[sflag:s31] =	ssyncpa.u1 $0x1  }
0x40: {  	p0 =	sne.s32 s0, $0x0;
	_ =	strace $0x90000056  }
0x41: {  	s0 =	sadd.s32 @!p0 $0x100000, s1;
	[bflag:$0x2] =	sbarrier.arrive $0xFFFF  }
0x42: {  	[sflag:s0] =	ssyncadd.tile.s32 @!p0 $0x1;
	_ =	shalt  }
.Lfunc_end1:
_tile_overlayer_lowered:
.L_overlay_start_2:
0x43: {  	(tag) =	ssettag $0x2  }
0x44: {  	s0 =	rddreg [dreg:$0x0];
	s2 =	stileid.u32  }
0x45: {  	s1 =	rddreg [dreg:$0x1];
	p0 =	sne.s32 s2, $0x0  }
0x46: {  	s3 =	rddreg [dreg:$0x2];
	[bflag:$0x3] =	sbarrier.arrive $0xFFFF;
	s2 =	simm.s32 @!p0 $0x1C01  }
0x47: {  	[timem:s3], [sflag:s2] =	dma.local @!p0 [hbm:s0], s1  }
0x48: {  	s0 =	simm.s32 @!p0 $0x1  }
0x49: {  	_ =	swait.ge @!p0 [sflag:s0], s1  }
0x4a: {  	s1 =	ssub.s32 @!p0 $0x0, s1;
	[sflag:s0] =	ssyncset.done @!p0 $0x0  }
0x4b: {  	[sflag:s0] =	ssyncadd.s32 @!p0 s1  }
0x4c: {  	[bflag:$0x3] =	sbarrier.arrive $0xFFFF  }
0x4d: {  	_ =	shalt  }

</sc_bundles>
